<compile_context>
chip_gen: v7x
topology: tpu7x:2x2x1
jax: 0.10.2.dev20260603
libtpu: 0.0.44.dev20260713+nightly
codegen_flags: <defaults>
</compile_context>

<pallas_src>
import functools

import jax
import jax.numpy as jnp
from jax import lax
from jax.experimental import pallas as pl
from jax.experimental.pallas import tpu as pltpu
from jax.experimental.pallas import tpu_sc as plsc

ED = 64
WD = 128
M = 1000
ROWS = M + 1
BATCH = 1024
NB = 8
NIDX = BATCH * NB * NB * NB

NC = 2
NS = 16
NW = NC * NS
NI = NIDX // NW
ISZ = 128
NSTREAM = 1
CHUNK = ISZ * NSTREAM
NBUF = 8
NCHUNK = NI // CHUNK


def _body(table_hbm, gi_hbm, out_hbm, table_sh, idx_all, rows, *sems):
    c = lax.axis_index("c")
    s = lax.axis_index("s")
    wid = s * NC + c
    base = wid * NI
    base_row = wid * (NI // ISZ)

    @pl.when(s == 0)
    def _stage():
        pltpu.sync_copy(table_hbm.at[:, pl.ds(0, ED)], table_sh)

    pltpu.sync_copy(gi_hbm.at[pl.ds(base_row, NI // ISZ)], idx_all)
    plsc.subcore_barrier()

    def fire(t, b):
        for j in range(NSTREAM):
            pltpu.async_copy(
                table_sh.at[idx_all.at[t * NSTREAM + j]],
                rows.at[b, pl.ds(j * ISZ, ISZ)],
                sems[b],
            )

    def drain(t, b):
        for j in range(NSTREAM):
            pltpu.make_async_copy(
                table_sh.at[idx_all.at[t * NSTREAM + j]],
                rows.at[b, pl.ds(j * ISZ, ISZ)],
                sems[b],
            ).wait()

    for b in range(NBUF):
        fire(b, b)

    def outer(tt, carry):
        for b in range(NBUF):
            t = tt * NBUF + b
            drain(t, b)
            pltpu.sync_copy(
                rows.at[b],
                out_hbm.at[pl.ds(base + t * CHUNK, CHUNK), pl.ds(0, ED)],
            )
            nt = t + NBUF

            @pl.when(nt < NCHUNK)
            def _():
                fire(nt, b)

        return carry

    lax.fori_loop(0, NCHUNK // NBUF, outer, 0)


@jax.jit
def _gather(table, gi_flat):
    mesh = plsc.VectorSubcoreMesh(core_axis_name="c", subcore_axis_name="s")
    f = functools.partial(
        pl.kernel,
        mesh=mesh,
        out_type=jax.ShapeDtypeStruct((NIDX, WD), jnp.float32),
        scratch_types=[
            pltpu.VMEM_SHARED((ROWS, ED), jnp.float32),
            pltpu.VMEM((NI // ISZ, ISZ), jnp.int32),
            pltpu.VMEM((NBUF, CHUNK, ED), jnp.float32),
        ] + [pltpu.SemaphoreType.DMA] * NBUF,
        compiler_params=pltpu.CompilerParams(use_tc_tiling_on_sc=False),
    )(_body)
    return f(table, gi_flat)


def kernel(x, gi, ee):
    table = jnp.concatenate([ee, x], axis=0)
    table = jnp.pad(table, ((0, 0), (0, WD - ED)))
    gi_flat = gi.reshape(NIDX // ISZ, ISZ).astype(jnp.int32)
    out = _gather(table, gi_flat)
    return out[:, :ED].reshape(BATCH, NB, NB, NB, ED)

# --- scband reference (transcript-rebuilt; emitter-appended) ---
"""Pipeline reference for scband-block-shaper-11441792876777 (READ-ONLY COPY).

The authoritative reference and input builder live on the scoring server;
editing this copy changes nothing except your own understanding.
"""

import jax, jax.numpy as jnp
import numpy as np

ED = 64
NB = 8
M = 1000
BATCH = 1024

def setup_inputs(seed: int = 0) -> dict:
    key = jax.random.key(seed)
    k1, k2, k3 = jax.random.split(key, 3)
    x = jax.random.normal(k1, (M, ED), dtype=jnp.float32)
    gi = jax.random.randint(k2, (BATCH, NB * NB * NB), 0, M + 1, dtype=jnp.int64)
    # learned empty-embedding parameter (xavier_uniform for shape (1, ED))
    bound = float(np.sqrt(6.0 / (1 + ED)))
    ee = jax.random.uniform(k3, (1, ED), dtype=jnp.float32, minval=-bound, maxval=bound)
    return {"x": x, "gi": gi, "ee": ee}

def reference(x, gi, ee):
    # torch: x = cat((ee, x), 0); x = x.unsqueeze(0).repeat(B,1,1); gather(dim=1, index=gi expanded)
    # Equivalent: row-gather from the concatenated table per batch element.
    x_cat = jnp.concatenate([ee, x], axis=0)  # [M+1, ED]
    out = jnp.take(x_cat, gi, axis=0)         # [B, NB^3, ED]
    batch_size = gi.shape[0]
    out = out.reshape(batch_size, NB, NB, NB, -1)
    return out

if __name__ == "__main__":
    import jax
    _d = setup_inputs()
    print(jax.jit(kernel)(*tuple(_d.values())))

</pallas_src>

<mosaic_0001>
#map = affine_map<(d0, d1) -> (0, 0)>
module attributes {stable_mosaic.version = 14 : i64} {
  func.func @_body(%arg0: i32, %arg1: i32, %arg2: memref<1001x128xf32, #tpu.memory_space<hbm>>, %arg3: memref<4096x128xi32, #tpu.memory_space<hbm>>, %arg4: memref<524288x128xf32, #tpu.memory_space<hbm>>, %arg5: memref<1001x64xf32, #tpu.memory_space<vmem_shared>>, %arg6: memref<128x128xi32, #tpu.memory_space<vmem>>, %arg7: memref<8x128x64xf32, #tpu.memory_space<vmem>>, %arg8: memref<!tpu.dma_semaphore, #tpu.memory_space<semaphore_mem>>, %arg9: memref<!tpu.dma_semaphore, #tpu.memory_space<semaphore_mem>>, %arg10: memref<!tpu.dma_semaphore, #tpu.memory_space<semaphore_mem>>, %arg11: memref<!tpu.dma_semaphore, #tpu.memory_space<semaphore_mem>>, %arg12: memref<!tpu.dma_semaphore, #tpu.memory_space<semaphore_mem>>, %arg13: memref<!tpu.dma_semaphore, #tpu.memory_space<semaphore_mem>>, %arg14: memref<!tpu.dma_semaphore, #tpu.memory_space<semaphore_mem>>, %arg15: memref<!tpu.dma_semaphore, #tpu.memory_space<semaphore_mem>>) attributes {dimension_semantics = [#tpu.dimension_semantics<core_parallel>, #tpu.dimension_semantics<subcore_parallel>], iteration_bounds = array<i64: 2, 16>, scalar_prefetch = 0 : i64, scratch_operands = 11 : i64, tpu.core_type = #tpu.core_type<sc_vector_subcore>, window_params = [{transform_indices = #map}, {transform_indices = #map}, {transform_indices = #map}]} {
    %mul3A = arith.constant 2 : i32
    %mul3A_0 = arith.muli %arg1, %mul3A : i32
    %add3A = arith.addi %mul3A_0, %arg0 : i32
    %mul3A_1 = arith.constant 16384 : i32
    %mul3A_2 = arith.muli %add3A, %mul3A_1 : i32
    %mul3A_3 = arith.constant 128 : i32
    %mul3A_4 = arith.muli %add3A, %mul3A_3 : i32
    %eq3A = arith.constant 0 : i32
    %eq3A_5 = arith.cmpi eq, %arg1, %eq3A : i32
    %convert_element_type3A = arith.extui %eq3A_5 : i1 to i32
    %cond3A = arith.constant 0 : i32
    %cond3A_6 = arith.cmpi ne, %convert_element_type3A, %cond3A : i32
    scf.if %cond3A_6 {
      "tpu.region"() ({
        %run_scoped3A = tpu.sem_alloc : memref<!tpu.dma_semaphore, #tpu.memory_space<semaphore_mem>>
        %dma_start3A_107 = arith.constant 0 : i32
        %dma_start3A_108 = arith.constant 0 : i32
        %dma_start3A_109 = tpu.memref_slice %arg2[%dma_start3A_107, %dma_start3A_108] : memref<1001x128xf32, #tpu.memory_space<hbm>> -> memref<1001x64xf32, #tpu.memory_space<hbm>>
        tpu.enqueue_dma source(%dma_start3A_109 : memref<1001x64xf32, #tpu.memory_space<hbm>>) target(%arg5 : memref<1001x64xf32, #tpu.memory_space<vmem_shared>>) target_semaphore(%run_scoped3A : memref<!tpu.dma_semaphore, #tpu.memory_space<semaphore_mem>>)
        %dma_wait3A = arith.constant 0 : i32
        %dma_wait3A_110 = arith.constant 0 : i32
        %dma_wait3A_111 = tpu.memref_slice %arg2[%dma_wait3A, %dma_wait3A_110] : memref<1001x128xf32, #tpu.memory_space<hbm>> -> memref<1001x64xf32, #tpu.memory_space<hbm>>
        tpu.wait_dma2 semaphore(%run_scoped3A : memref<!tpu.dma_semaphore, #tpu.memory_space<semaphore_mem>>) src(%dma_wait3A_111 : memref<1001x64xf32, #tpu.memory_space<hbm>>) dst(%arg5 : memref<1001x64xf32, #tpu.memory_space<vmem_shared>>)
        tpu.yield
      }) : () -> ()
    } else {
    }
    "tpu.region"() ({
      %run_scoped3A = tpu.sem_alloc : memref<!tpu.dma_semaphore, #tpu.memory_space<semaphore_mem>>
      %dma_start3A_107 = arith.constant 0 : i32
      %dma_start3A_108 = tpu.memref_slice %arg3[%mul3A_4, %dma_start3A_107] : memref<4096x128xi32, #tpu.memory_space<hbm>> -> memref<128x128xi32, #tpu.memory_space<hbm>>
      %dma_start3A_109 = arith.constant 0 : i32
      %dma_start3A_110 = tpu.memref_slice %arg3[%mul3A_4, %dma_start3A_109] : memref<4096x128xi32, #tpu.memory_space<hbm>> -> memref<128x128xi32, #tpu.memory_space<hbm>>
      tpu.enqueue_dma source(%dma_start3A_110 : memref<128x128xi32, #tpu.memory_space<hbm>>) target(%arg6 : memref<128x128xi32, #tpu.memory_space<vmem>>) target_semaphore(%run_scoped3A : memref<!tpu.dma_semaphore, #tpu.memory_space<semaphore_mem>>)
      %dma_wait3A = arith.constant 0 : i32
      %dma_wait3A_111 = tpu.memref_slice %arg3[%mul3A_4, %dma_wait3A] : memref<4096x128xi32, #tpu.memory_space<hbm>> -> memref<128x128xi32, #tpu.memory_space<hbm>>
      %dma_wait3A_112 = arith.constant 0 : i32
      %dma_wait3A_113 = tpu.memref_slice %arg3[%mul3A_4, %dma_wait3A_112] : memref<4096x128xi32, #tpu.memory_space<hbm>> -> memref<128x128xi32, #tpu.memory_space<hbm>>
      tpu.wait_dma2 semaphore(%run_scoped3A : memref<!tpu.dma_semaphore, #tpu.memory_space<semaphore_mem>>) src(%dma_wait3A_113 : memref<128x128xi32, #tpu.memory_space<hbm>>) dst(%arg6 : memref<128x128xi32, #tpu.memory_space<vmem>>)
      tpu.yield
    }) : () -> ()
    %barrier3A = arith.constant 0 : index
    tpu.barrier barrier_id(%barrier3A)
    %dma_start3A = arith.constant 0 : i32
    %dma_start3A_7 = arith.constant 0 : i32
    %dma_start3A_8 = arith.constant 0 : i32
    %dma_start3A_9 = arith.constant 0 : i32
    %dma_start3A_10 = tpu.memref_slice %arg7[%dma_start3A_7, %dma_start3A_8, %dma_start3A_9] : memref<8x128x64xf32, #tpu.memory_space<vmem>> -> memref<1x128x64xf32, #tpu.memory_space<vmem>>
    %dma_start3A_11 = tpu.memref_squeeze %dma_start3A_10 : memref<1x128x64xf32, #tpu.memory_space<vmem>> -> memref<128x64xf32, #tpu.memory_space<vmem>>
    %dma_start3A_12 = arith.constant 0 : i32
    %dma_start3A_13 = tpu.memref_slice %arg6[%dma_start3A, %dma_start3A_12] : memref<128x128xi32, #tpu.memory_space<vmem>> -> memref<1x128xi32, #tpu.memory_space<vmem>>
    %dma_start3A_14 = tpu.memref_squeeze %dma_start3A_13 : memref<1x128xi32, #tpu.memory_space<vmem>> -> memref<128xi32, #tpu.memory_space<vmem>>
    %dma_start3A_15 = arith.constant 0 : i32
    %dma_start3A_16 = arith.constant 0 : i32
    %dma_start3A_17 = tpu.memref_slice %arg5[%dma_start3A_15, %dma_start3A_16] : memref<1001x64xf32, #tpu.memory_space<vmem_shared>> -> memref<1001x64xf32, #tpu.memory_space<vmem_shared>>
    tpu.enqueue_indirect_dma source(%dma_start3A_17 : memref<1001x64xf32, #tpu.memory_space<vmem_shared>>) target(%dma_start3A_11 : memref<128x64xf32, #tpu.memory_space<vmem>>) offsets(%dma_start3A_14 : memref<128xi32, #tpu.memory_space<vmem>>) semaphore(%arg8 : memref<!tpu.dma_semaphore, #tpu.memory_space<semaphore_mem>>)
    %dma_start3A_18 = arith.constant 1 : i32
    %dma_start3A_19 = arith.constant 1 : i32
    %dma_start3A_20 = arith.constant 0 : i32
    %dma_start3A_21 = arith.constant 0 : i32
    %dma_start3A_22 = tpu.memref_slice %arg7[%dma_start3A_19, %dma_start3A_20, %dma_start3A_21] : memref<8x128x64xf32, #tpu.memory_space<vmem>> -> memref<1x128x64xf32, #tpu.memory_space<vmem>>
    %dma_start3A_23 = tpu.memref_squeeze %dma_start3A_22 : memref<1x128x64xf32, #tpu.memory_space<vmem>> -> memref<128x64xf32, #tpu.memory_space<vmem>>
    %dma_start3A_24 = arith.constant 0 : i32
    %dma_start3A_25 = tpu.memref_slice %arg6[%dma_start3A_18, %dma_start3A_24] : memref<128x128xi32, #tpu.memory_space<vmem>> -> memref<1x128xi32, #tpu.memory_space<vmem>>
    %dma_start3A_26 = tpu.memref_squeeze %dma_start3A_25 : memref<1x128xi32, #tpu.memory_space<vmem>> -> memref<128xi32, #tpu.memory_space<vmem>>
    %dma_start3A_27 = arith.constant 0 : i32
    %dma_start3A_28 = arith.constant 0 : i32
    %dma_start3A_29 = tpu.memref_slice %arg5[%dma_start3A_27, %dma_start3A_28] : memref<1001x64xf32, #tpu.memory_space<vmem_shared>> -> memref<1001x64xf32, #tpu.memory_space<vmem_shared>>
    tpu.enqueue_indirect_dma source(%dma_start3A_29 : memref<1001x64xf32, #tpu.memory_space<vmem_shared>>) target(%dma_start3A_23 : memref<128x64xf32, #tpu.memory_space<vmem>>) offsets(%dma_start3A_26 : memref<128xi32, #tpu.memory_space<vmem>>) semaphore(%arg9 : memref<!tpu.dma_semaphore, #tpu.memory_space<semaphore_mem>>)
    %dma_start3A_30 = arith.constant 2 : i32
    %dma_start3A_31 = arith.constant 2 : i32
    %dma_start3A_32 = arith.constant 0 : i32
    %dma_start3A_33 = arith.constant 0 : i32
    %dma_start3A_34 = tpu.memref_slice %arg7[%dma_start3A_31, %dma_start3A_32, %dma_start3A_33] : memref<8x128x64xf32, #tpu.memory_space<vmem>> -> memref<1x128x64xf32, #tpu.memory_space<vmem>>
    %dma_start3A_35 = tpu.memref_squeeze %dma_start3A_34 : memref<1x128x64xf32, #tpu.memory_space<vmem>> -> memref<128x64xf32, #tpu.memory_space<vmem>>
    %dma_start3A_36 = arith.constant 0 : i32
    %dma_start3A_37 = tpu.memref_slice %arg6[%dma_start3A_30, %dma_start3A_36] : memref<128x128xi32, #tpu.memory_space<vmem>> -> memref<1x128xi32, #tpu.memory_space<vmem>>
    %dma_start3A_38 = tpu.memref_squeeze %dma_start3A_37 : memref<1x128xi32, #tpu.memory_space<vmem>> -> memref<128xi32, #tpu.memory_space<vmem>>
    %dma_start3A_39 = arith.constant 0 : i32
    %dma_start3A_40 = arith.constant 0 : i32
    %dma_start3A_41 = tpu.memref_slice %arg5[%dma_start3A_39, %dma_start3A_40] : memref<1001x64xf32, #tpu.memory_space<vmem_shared>> -> memref<1001x64xf32, #tpu.memory_space<vmem_shared>>
    tpu.enqueue_indirect_dma source(%dma_start3A_41 : memref<1001x64xf32, #tpu.memory_space<vmem_shared>>) target(%dma_start3A_35 : memref<128x64xf32, #tpu.memory_space<vmem>>) offsets(%dma_start3A_38 : memref<128xi32, #tpu.memory_space<vmem>>) semaphore(%arg10 : memref<!tpu.dma_semaphore, #tpu.memory_space<semaphore_mem>>)
    %dma_start3A_42 = arith.constant 3 : i32
    %dma_start3A_43 = arith.constant 3 : i32
    %dma_start3A_44 = arith.constant 0 : i32
    %dma_start3A_45 = arith.constant 0 : i32
    %dma_start3A_46 = tpu.memref_slice %arg7[%dma_start3A_43, %dma_start3A_44, %dma_start3A_45] : memref<8x128x64xf32, #tpu.memory_space<vmem>> -> memref<1x128x64xf32, #tpu.memory_space<vmem>>
    %dma_start3A_47 = tpu.memref_squeeze %dma_start3A_46 : memref<1x128x64xf32, #tpu.memory_space<vmem>> -> memref<128x64xf32, #tpu.memory_space<vmem>>
    %dma_start3A_48 = arith.constant 0 : i32
    %dma_start3A_49 = tpu.memref_slice %arg6[%dma_start3A_42, %dma_start3A_48] : memref<128x128xi32, #tpu.memory_space<vmem>> -> memref<1x128xi32, #tpu.memory_space<vmem>>
    %dma_start3A_50 = tpu.memref_squeeze %dma_start3A_49 : memref<1x128xi32, #tpu.memory_space<vmem>> -> memref<128xi32, #tpu.memory_space<vmem>>
    %dma_start3A_51 = arith.constant 0 : i32
    %dma_start3A_52 = arith.constant 0 : i32
    %dma_start3A_53 = tpu.memref_slice %arg5[%dma_start3A_51, %dma_start3A_52] : memref<1001x64xf32, #tpu.memory_space<vmem_shared>> -> memref<1001x64xf32, #tpu.memory_space<vmem_shared>>
    tpu.enqueue_indirect_dma source(%dma_start3A_53 : memref<1001x64xf32, #tpu.memory_space<vmem_shared>>) target(%dma_start3A_47 : memref<128x64xf32, #tpu.memory_space<vmem>>) offsets(%dma_start3A_50 : memref<128xi32, #tpu.memory_space<vmem>>) semaphore(%arg11 : memref<!tpu.dma_semaphore, #tpu.memory_space<semaphore_mem>>)
    %dma_start3A_54 = arith.constant 4 : i32
    %dma_start3A_55 = arith.constant 4 : i32
    %dma_start3A_56 = arith.constant 0 : i32
    %dma_start3A_57 = arith.constant 0 : i32
    %dma_start3A_58 = tpu.memref_slice %arg7[%dma_start3A_55, %dma_start3A_56, %dma_start3A_57] : memref<8x128x64xf32, #tpu.memory_space<vmem>> -> memref<1x128x64xf32, #tpu.memory_space<vmem>>
    %dma_start3A_59 = tpu.memref_squeeze %dma_start3A_58 : memref<1x128x64xf32, #tpu.memory_space<vmem>> -> memref<128x64xf32, #tpu.memory_space<vmem>>
    %dma_start3A_60 = arith.constant 0 : i32
    %dma_start3A_61 = tpu.memref_slice %arg6[%dma_start3A_54, %dma_start3A_60] : memref<128x128xi32, #tpu.memory_space<vmem>> -> memref<1x128xi32, #tpu.memory_space<vmem>>
    %dma_start3A_62 = tpu.memref_squeeze %dma_start3A_61 : memref<1x128xi32, #tpu.memory_space<vmem>> -> memref<128xi32, #tpu.memory_space<vmem>>
    %dma_start3A_63 = arith.constant 0 : i32
    %dma_start3A_64 = arith.constant 0 : i32
    %dma_start3A_65 = tpu.memref_slice %arg5[%dma_start3A_63, %dma_start3A_64] : memref<1001x64xf32, #tpu.memory_space<vmem_shared>> -> memref<1001x64xf32, #tpu.memory_space<vmem_shared>>
    tpu.enqueue_indirect_dma source(%dma_start3A_65 : memref<1001x64xf32, #tpu.memory_space<vmem_shared>>) target(%dma_start3A_59 : memref<128x64xf32, #tpu.memory_space<vmem>>) offsets(%dma_start3A_62 : memref<128xi32, #tpu.memory_space<vmem>>) semaphore(%arg12 : memref<!tpu.dma_semaphore, #tpu.memory_space<semaphore_mem>>)
    %dma_start3A_66 = arith.constant 5 : i32
    %dma_start3A_67 = arith.constant 5 : i32
    %dma_start3A_68 = arith.constant 0 : i32
    %dma_start3A_69 = arith.constant 0 : i32
    %dma_start3A_70 = tpu.memref_slice %arg7[%dma_start3A_67, %dma_start3A_68, %dma_start3A_69] : memref<8x128x64xf32, #tpu.memory_space<vmem>> -> memref<1x128x64xf32, #tpu.memory_space<vmem>>
    %dma_start3A_71 = tpu.memref_squeeze %dma_start3A_70 : memref<1x128x64xf32, #tpu.memory_space<vmem>> -> memref<128x64xf32, #tpu.memory_space<vmem>>
    %dma_start3A_72 = arith.constant 0 : i32
    %dma_start3A_73 = tpu.memref_slice %arg6[%dma_start3A_66, %dma_start3A_72] : memref<128x128xi32, #tpu.memory_space<vmem>> -> memref<1x128xi32, #tpu.memory_space<vmem>>
    %dma_start3A_74 = tpu.memref_squeeze %dma_start3A_73 : memref<1x128xi32, #tpu.memory_space<vmem>> -> memref<128xi32, #tpu.memory_space<vmem>>
    %dma_start3A_75 = arith.constant 0 : i32
    %dma_start3A_76 = arith.constant 0 : i32
    %dma_start3A_77 = tpu.memref_slice %arg5[%dma_start3A_75, %dma_start3A_76] : memref<1001x64xf32, #tpu.memory_space<vmem_shared>> -> memref<1001x64xf32, #tpu.memory_space<vmem_shared>>
    tpu.enqueue_indirect_dma source(%dma_start3A_77 : memref<1001x64xf32, #tpu.memory_space<vmem_shared>>) target(%dma_start3A_71 : memref<128x64xf32, #tpu.memory_space<vmem>>) offsets(%dma_start3A_74 : memref<128xi32, #tpu.memory_space<vmem>>) semaphore(%arg13 : memref<!tpu.dma_semaphore, #tpu.memory_space<semaphore_mem>>)
    %dma_start3A_78 = arith.constant 6 : i32
    %dma_start3A_79 = arith.constant 6 : i32
    %dma_start3A_80 = arith.constant 0 : i32
    %dma_start3A_81 = arith.constant 0 : i32
    %dma_start3A_82 = tpu.memref_slice %arg7[%dma_start3A_79, %dma_start3A_80, %dma_start3A_81] : memref<8x128x64xf32, #tpu.memory_space<vmem>> -> memref<1x128x64xf32, #tpu.memory_space<vmem>>
    %dma_start3A_83 = tpu.memref_squeeze %dma_start3A_82 : memref<1x128x64xf32, #tpu.memory_space<vmem>> -> memref<128x64xf32, #tpu.memory_space<vmem>>
    %dma_start3A_84 = arith.constant 0 : i32
    %dma_start3A_85 = tpu.memref_slice %arg6[%dma_start3A_78, %dma_start3A_84] : memref<128x128xi32, #tpu.memory_space<vmem>> -> memref<1x128xi32, #tpu.memory_space<vmem>>
    %dma_start3A_86 = tpu.memref_squeeze %dma_start3A_85 : memref<1x128xi32, #tpu.memory_space<vmem>> -> memref<128xi32, #tpu.memory_space<vmem>>
    %dma_start3A_87 = arith.constant 0 : i32
    %dma_start3A_88 = arith.constant 0 : i32
    %dma_start3A_89 = tpu.memref_slice %arg5[%dma_start3A_87, %dma_start3A_88] : memref<1001x64xf32, #tpu.memory_space<vmem_shared>> -> memref<1001x64xf32, #tpu.memory_space<vmem_shared>>
    tpu.enqueue_indirect_dma source(%dma_start3A_89 : memref<1001x64xf32, #tpu.memory_space<vmem_shared>>) target(%dma_start3A_83 : memref<128x64xf32, #tpu.memory_space<vmem>>) offsets(%dma_start3A_86 : memref<128xi32, #tpu.memory_space<vmem>>) semaphore(%arg14 : memref<!tpu.dma_semaphore, #tpu.memory_space<semaphore_mem>>)
    %dma_start3A_90 = arith.constant 7 : i32
    %dma_start3A_91 = arith.constant 7 : i32
    %dma_start3A_92 = arith.constant 0 : i32
    %dma_start3A_93 = arith.constant 0 : i32
    %dma_start3A_94 = tpu.memref_slice %arg7[%dma_start3A_91, %dma_start3A_92, %dma_start3A_93] : memref<8x128x64xf32, #tpu.memory_space<vmem>> -> memref<1x128x64xf32, #tpu.memory_space<vmem>>
    %dma_start3A_95 = tpu.memref_squeeze %dma_start3A_94 : memref<1x128x64xf32, #tpu.memory_space<vmem>> -> memref<128x64xf32, #tpu.memory_space<vmem>>
    %dma_start3A_96 = arith.constant 0 : i32
    %dma_start3A_97 = tpu.memref_slice %arg6[%dma_start3A_90, %dma_start3A_96] : memref<128x128xi32, #tpu.memory_space<vmem>> -> memref<1x128xi32, #tpu.memory_space<vmem>>
    %dma_start3A_98 = tpu.memref_squeeze %dma_start3A_97 : memref<1x128xi32, #tpu.memory_space<vmem>> -> memref<128xi32, #tpu.memory_space<vmem>>
    %dma_start3A_99 = arith.constant 0 : i32
    %dma_start3A_100 = arith.constant 0 : i32
    %dma_start3A_101 = tpu.memref_slice %arg5[%dma_start3A_99, %dma_start3A_100] : memref<1001x64xf32, #tpu.memory_space<vmem_shared>> -> memref<1001x64xf32, #tpu.memory_space<vmem_shared>>
    tpu.enqueue_indirect_dma source(%dma_start3A_101 : memref<1001x64xf32, #tpu.memory_space<vmem_shared>>) target(%dma_start3A_95 : memref<128x64xf32, #tpu.memory_space<vmem>>) offsets(%dma_start3A_98 : memref<128xi32, #tpu.memory_space<vmem>>) semaphore(%arg15 : memref<!tpu.dma_semaphore, #tpu.memory_space<semaphore_mem>>)
    %scan3A = arith.constant 0 : i32
    %scan3A_102 = arith.constant 0 : i32
    %scan3A_103 = arith.constant 16 : i32
    %scan3A_104 = arith.addi %scan3A_102, %scan3A_103 : i32
    %scan3A_105 = arith.constant 1 : i32
    scf.for %scan3A_107 = %scan3A_102 to %scan3A_104 step %scan3A_105  : i32 {
      %mul3A_108 = arith.constant 8 : i32
      %mul3A_109 = arith.muli %scan3A_107, %mul3A_108 : i32
      %add3A_110 = arith.constant 0 : i32
      %add3A_111 = arith.addi %mul3A_109, %add3A_110 : i32
      %mul3A_112 = arith.constant 1 : i32
      %mul3A_113 = arith.muli %add3A_111, %mul3A_112 : i32
      %add3A_114 = arith.constant 0 : i32
      %add3A_115 = arith.addi %mul3A_113, %add3A_114 : i32
      %dma_wait3A = arith.constant 0 : i32
      %dma_wait3A_116 = arith.constant 0 : i32
      %dma_wait3A_117 = arith.constant 0 : i32
      %dma_wait3A_118 = tpu.memref_slice %arg7[%dma_wait3A, %dma_wait3A_116, %dma_wait3A_117] : memref<8x128x64xf32, #tpu.memory_space<vmem>> -> memref<1x128x64xf32, #tpu.memory_space<vmem>>
      %dma_wait3A_119 = tpu.memref_squeeze %dma_wait3A_118 : memref<1x128x64xf32, #tpu.memory_space<vmem>> -> memref<128x64xf32, #tpu.memory_space<vmem>>
      %dma_wait3A_120 = arith.constant 0 : i32
      %dma_wait3A_121 = tpu.memref_slice %arg6[%add3A_115, %dma_wait3A_120] : memref<128x128xi32, #tpu.memory_space<vmem>> -> memref<1x128xi32, #tpu.memory_space<vmem>>
      %dma_wait3A_122 = tpu.memref_squeeze %dma_wait3A_121 : memref<1x128xi32, #tpu.memory_space<vmem>> -> memref<128xi32, #tpu.memory_space<vmem>>
      %dma_wait3A_123 = arith.constant 0 : i32
      %dma_wait3A_124 = arith.constant 0 : i32
      %dma_wait3A_125 = tpu.memref_slice %arg5[%dma_wait3A_123, %dma_wait3A_124] : memref<1001x64xf32, #tpu.memory_space<vmem_shared>> -> memref<1001x64xf32, #tpu.memory_space<vmem_shared>>
      tpu.wait_indirect_dma semaphore(%arg8 : memref<!tpu.dma_semaphore, #tpu.memory_space<semaphore_mem>>) src(%dma_wait3A_125 : memref<1001x64xf32, #tpu.memory_space<vmem_shared>>) dst(%dma_wait3A_119 : memref<128x64xf32, #tpu.memory_space<vmem>>)
      %mul3A_126 = arith.constant 128 : i32
      %mul3A_127 = arith.muli %add3A_111, %mul3A_126 : i32
      %add3A_128 = arith.addi %mul3A_2, %mul3A_127 : i32
      %run_scoped3A = arith.constant 0 : i32
      "tpu.region"() ({
        %run_scoped3A_345 = tpu.sem_alloc : memref<!tpu.dma_semaphore, #tpu.memory_space<semaphore_mem>>
        %dma_start3A_346 = arith.constant 0 : i32
        %dma_start3A_347 = arith.constant 0 : i32
        %dma_start3A_348 = tpu.memref_slice %arg7[%run_scoped3A, %dma_start3A_346, %dma_start3A_347] : memref<8x128x64xf32, #tpu.memory_space<vmem>> -> memref<1x128x64xf32, #tpu.memory_space<vmem>>
        %dma_start3A_349 = tpu.memref_squeeze %dma_start3A_348 : memref<1x128x64xf32, #tpu.memory_space<vmem>> -> memref<128x64xf32, #tpu.memory_space<vmem>>
        %dma_start3A_350 = arith.constant 0 : i32
        %dma_start3A_351 = tpu.memref_slice %arg4[%add3A_128, %dma_start3A_350] : memref<524288x128xf32, #tpu.memory_space<hbm>> -> memref<128x64xf32, #tpu.memory_space<hbm>>
        %dma_start3A_352 = arith.constant 0 : i32
        %dma_start3A_353 = tpu.memref_slice %arg4[%add3A_128, %dma_start3A_352] : memref<524288x128xf32, #tpu.memory_space<hbm>> -> memref<128x64xf32, #tpu.memory_space<hbm>>
        %dma_start3A_354 = arith.constant 0 : i32
        %dma_start3A_355 = arith.constant 0 : i32
        %dma_start3A_356 = tpu.memref_slice %arg7[%run_scoped3A, %dma_start3A_354, %dma_start3A_355] : memref<8x128x64xf32, #tpu.memory_space<vmem>> -> memref<1x128x64xf32, #tpu.memory_space<vmem>>
        %dma_start3A_357 = tpu.memref_squeeze %dma_start3A_356 : memref<1x128x64xf32, #tpu.memory_space<vmem>> -> memref<128x64xf32, #tpu.memory_space<vmem>>
        tpu.enqueue_dma source(%dma_start3A_357 : memref<128x64xf32, #tpu.memory_space<vmem>>) target(%dma_start3A_353 : memref<128x64xf32, #tpu.memory_space<hbm>>) target_semaphore(%run_scoped3A_345 : memref<!tpu.dma_semaphore, #tpu.memory_space<semaphore_mem>>)
        %dma_wait3A_358 = arith.constant 0 : i32
        %dma_wait3A_359 = arith.constant 0 : i32
        %dma_wait3A_360 = tpu.memref_slice %arg7[%run_scoped3A, %dma_wait3A_358, %dma_wait3A_359] : memref<8x128x64xf32, #tpu.memory_space<vmem>> -> memref<1x128x64xf32, #tpu.memory_space<vmem>>
        %dma_wait3A_361 = tpu.memref_squeeze %dma_wait3A_360 : memref<1x128x64xf32, #tpu.memory_space<vmem>> -> memref<128x64xf32, #tpu.memory_space<vmem>>
        %dma_wait3A_362 = arith.constant 0 : i32
        %dma_wait3A_363 = tpu.memref_slice %arg4[%add3A_128, %dma_wait3A_362] : memref<524288x128xf32, #tpu.memory_space<hbm>> -> memref<128x64xf32, #tpu.memory_space<hbm>>
        %dma_wait3A_364 = arith.constant 0 : i32
        %dma_wait3A_365 = tpu.memref_slice %arg4[%add3A_128, %dma_wait3A_364] : memref<524288x128xf32, #tpu.memory_space<hbm>> -> memref<128x64xf32, #tpu.memory_space<hbm>>
        %dma_wait3A_366 = arith.constant 0 : i32
        %dma_wait3A_367 = arith.constant 0 : i32
        %dma_wait3A_368 = tpu.memref_slice %arg7[%run_scoped3A, %dma_wait3A_366, %dma_wait3A_367] : memref<8x128x64xf32, #tpu.memory_space<vmem>> -> memref<1x128x64xf32, #tpu.memory_space<vmem>>
        %dma_wait3A_369 = tpu.memref_squeeze %dma_wait3A_368 : memref<1x128x64xf32, #tpu.memory_space<vmem>> -> memref<128x64xf32, #tpu.memory_space<vmem>>
        tpu.wait_dma2 semaphore(%run_scoped3A_345 : memref<!tpu.dma_semaphore, #tpu.memory_space<semaphore_mem>>) src(%dma_wait3A_369 : memref<128x64xf32, #tpu.memory_space<vmem>>) dst(%dma_wait3A_365 : memref<128x64xf32, #tpu.memory_space<hbm>>)
        tpu.yield
      }) : () -> ()
      %add3A_129 = arith.constant 8 : i32
      %add3A_130 = arith.addi %add3A_111, %add3A_129 : i32
      %lt3A = arith.constant 128 : i32
      %lt3A_131 = arith.cmpi slt, %add3A_130, %lt3A : i32
      %convert_element_type3A_132 = arith.extui %lt3A_131 : i1 to i32
      %cond3A_133 = arith.constant 0 : i32
      %cond3A_134 = arith.cmpi ne, %convert_element_type3A_132, %cond3A_133 : i32
      scf.if %cond3A_134 {
        %mul3A_345 = arith.constant 1 : i32
        %mul3A_346 = arith.muli %add3A_130, %mul3A_345 : i32
        %add3A_347 = arith.constant 0 : i32
        %add3A_348 = arith.addi %mul3A_346, %add3A_347 : i32
        %dma_start3A_349 = arith.constant 0 : i32
        %dma_start3A_350 = arith.constant 0 : i32
        %dma_start3A_351 = arith.constant 0 : i32
        %dma_start3A_352 = tpu.memref_slice %arg7[%dma_start3A_349, %dma_start3A_350, %dma_start3A_351] : memref<8x128x64xf32, #tpu.memory_space<vmem>> -> memref<1x128x64xf32, #tpu.memory_space<vmem>>
        %dma_start3A_353 = tpu.memref_squeeze %dma_start3A_352 : memref<1x128x64xf32, #tpu.memory_space<vmem>> -> memref<128x64xf32, #tpu.memory_space<vmem>>
        %dma_start3A_354 = arith.constant 0 : i32
        %dma_start3A_355 = tpu.memref_slice %arg6[%add3A_348, %dma_start3A_354] : memref<128x128xi32, #tpu.memory_space<vmem>> -> memref<1x128xi32, #tpu.memory_space<vmem>>
        %dma_start3A_356 = tpu.memref_squeeze %dma_start3A_355 : memref<1x128xi32, #tpu.memory_space<vmem>> -> memref<128xi32, #tpu.memory_space<vmem>>
        %dma_start3A_357 = arith.constant 0 : i32
        %dma_start3A_358 = arith.constant 0 : i32
        %dma_start3A_359 = tpu.memref_slice %arg5[%dma_start3A_357, %dma_start3A_358] : memref<1001x64xf32, #tpu.memory_space<vmem_shared>> -> memref<1001x64xf32, #tpu.memory_space<vmem_shared>>
        tpu.enqueue_indirect_dma source(%dma_start3A_359 : memref<1001x64xf32, #tpu.memory_space<vmem_shared>>) target(%dma_start3A_353 : memref<128x64xf32, #tpu.memory_space<vmem>>) offsets(%dma_start3A_356 : memref<128xi32, #tpu.memory_space<vmem>>) semaphore(%arg8 : memref<!tpu.dma_semaphore, #tpu.memory_space<semaphore_mem>>)
      } else {
      }
      %mul3A_135 = arith.constant 8 : i32
      %mul3A_136 = arith.muli %scan3A_107, %mul3A_135 : i32
      %add3A_137 = arith.constant 1 : i32
      %add3A_138 = arith.addi %mul3A_136, %add3A_137 : i32
      %mul3A_139 = arith.constant 1 : i32
      %mul3A_140 = arith.muli %add3A_138, %mul3A_139 : i32
      %add3A_141 = arith.constant 0 : i32
      %add3A_142 = arith.addi %mul3A_140, %add3A_141 : i32
      %dma_wait3A_143 = arith.constant 1 : i32
      %dma_wait3A_144 = arith.constant 0 : i32
      %dma_wait3A_145 = arith.constant 0 : i32
      %dma_wait3A_146 = tpu.memref_slice %arg7[%dma_wait3A_143, %dma_wait3A_144, %dma_wait3A_145] : memref<8x128x64xf32, #tpu.memory_space<vmem>> -> memref<1x128x64xf32, #tpu.memory_space<vmem>>
      %dma_wait3A_147 = tpu.memref_squeeze %dma_wait3A_146 : memref<1x128x64xf32, #tpu.memory_space<vmem>> -> memref<128x64xf32, #tpu.memory_space<vmem>>
      %dma_wait3A_148 = arith.constant 0 : i32
      %dma_wait3A_149 = tpu.memref_slice %arg6[%add3A_142, %dma_wait3A_148] : memref<128x128xi32, #tpu.memory_space<vmem>> -> memref<1x128xi32, #tpu.memory_space<vmem>>
      %dma_wait3A_150 = tpu.memref_squeeze %dma_wait3A_149 : memref<1x128xi32, #tpu.memory_space<vmem>> -> memref<128xi32, #tpu.memory_space<vmem>>
      %dma_wait3A_151 = arith.constant 0 : i32
      %dma_wait3A_152 = arith.constant 0 : i32
      %dma_wait3A_153 = tpu.memref_slice %arg5[%dma_wait3A_151, %dma_wait3A_152] : memref<1001x64xf32, #tpu.memory_space<vmem_shared>> -> memref<1001x64xf32, #tpu.memory_space<vmem_shared>>
      tpu.wait_indirect_dma semaphore(%arg9 : memref<!tpu.dma_semaphore, #tpu.memory_space<semaphore_mem>>) src(%dma_wait3A_153 : memref<1001x64xf32, #tpu.memory_space<vmem_shared>>) dst(%dma_wait3A_147 : memref<128x64xf32, #tpu.memory_space<vmem>>)
      %mul3A_154 = arith.constant 128 : i32
      %mul3A_155 = arith.muli %add3A_138, %mul3A_154 : i32
      %add3A_156 = arith.addi %mul3A_2, %mul3A_155 : i32
      %run_scoped3A_157 = arith.constant 1 : i32
      "tpu.region"() ({
        %run_scoped3A_345 = tpu.sem_alloc : memref<!tpu.dma_semaphore, #tpu.memory_space<semaphore_mem>>
        %dma_start3A_346 = arith.constant 0 : i32
        %dma_start3A_347 = arith.constant 0 : i32
        %dma_start3A_348 = tpu.memref_slice %arg7[%run_scoped3A_157, %dma_start3A_346, %dma_start3A_347] : memref<8x128x64xf32, #tpu.memory_space<vmem>> -> memref<1x128x64xf32, #tpu.memory_space<vmem>>
        %dma_start3A_349 = tpu.memref_squeeze %dma_start3A_348 : memref<1x128x64xf32, #tpu.memory_space<vmem>> -> memref<128x64xf32, #tpu.memory_space<vmem>>
        %dma_start3A_350 = arith.constant 0 : i32
        %dma_start3A_351 = tpu.memref_slice %arg4[%add3A_156, %dma_start3A_350] : memref<524288x128xf32, #tpu.memory_space<hbm>> -> memref<128x64xf32, #tpu.memory_space<hbm>>
        %dma_start3A_352 = arith.constant 0 : i32
        %dma_start3A_353 = tpu.memref_slice %arg4[%add3A_156, %dma_start3A_352] : memref<524288x128xf32, #tpu.memory_space<hbm>> -> memref<128x64xf32, #tpu.memory_space<hbm>>
        %dma_start3A_354 = arith.constant 0 : i32
        %dma_start3A_355 = arith.constant 0 : i32
        %dma_start3A_356 = tpu.memref_slice %arg7[%run_scoped3A_157, %dma_start3A_354, %dma_start3A_355] : memref<8x128x64xf32, #tpu.memory_space<vmem>> -> memref<1x128x64xf32, #tpu.memory_space<vmem>>
        %dma_start3A_357 = tpu.memref_squeeze %dma_start3A_356 : memref<1x128x64xf32, #tpu.memory_space<vmem>> -> memref<128x64xf32, #tpu.memory_space<vmem>>
        tpu.enqueue_dma source(%dma_start3A_357 : memref<128x64xf32, #tpu.memory_space<vmem>>) target(%dma_start3A_353 : memref<128x64xf32, #tpu.memory_space<hbm>>) target_semaphore(%run_scoped3A_345 : memref<!tpu.dma_semaphore, #tpu.memory_space<semaphore_mem>>)
        %dma_wait3A_358 = arith.constant 0 : i32
        %dma_wait3A_359 = arith.constant 0 : i32
        %dma_wait3A_360 = tpu.memref_slice %arg7[%run_scoped3A_157, %dma_wait3A_358, %dma_wait3A_359] : memref<8x128x64xf32, #tpu.memory_space<vmem>> -> memref<1x128x64xf32, #tpu.memory_space<vmem>>
        %dma_wait3A_361 = tpu.memref_squeeze %dma_wait3A_360 : memref<1x128x64xf32, #tpu.memory_space<vmem>> -> memref<128x64xf32, #tpu.memory_space<vmem>>
        %dma_wait3A_362 = arith.constant 0 : i32
        %dma_wait3A_363 = tpu.memref_slice %arg4[%add3A_156, %dma_wait3A_362] : memref<524288x128xf32, #tpu.memory_space<hbm>> -> memref<128x64xf32, #tpu.memory_space<hbm>>
        %dma_wait3A_364 = arith.constant 0 : i32
        %dma_wait3A_365 = tpu.memref_slice %arg4[%add3A_156, %dma_wait3A_364] : memref<524288x128xf32, #tpu.memory_space<hbm>> -> memref<128x64xf32, #tpu.memory_space<hbm>>
        %dma_wait3A_366 = arith.constant 0 : i32
        %dma_wait3A_367 = arith.constant 0 : i32
        %dma_wait3A_368 = tpu.memref_slice %arg7[%run_scoped3A_157, %dma_wait3A_366, %dma_wait3A_367] : memref<8x128x64xf32, #tpu.memory_space<vmem>> -> memref<1x128x64xf32, #tpu.memory_space<vmem>>
        %dma_wait3A_369 = tpu.memref_squeeze %dma_wait3A_368 : memref<1x128x64xf32, #tpu.memory_space<vmem>> -> memref<128x64xf32, #tpu.memory_space<vmem>>
        tpu.wait_dma2 semaphore(%run_scoped3A_345 : memref<!tpu.dma_semaphore, #tpu.memory_space<semaphore_mem>>) src(%dma_wait3A_369 : memref<128x64xf32, #tpu.memory_space<vmem>>) dst(%dma_wait3A_365 : memref<128x64xf32, #tpu.memory_space<hbm>>)
        tpu.yield
      }) : () -> ()
      %add3A_158 = arith.constant 8 : i32
      %add3A_159 = arith.addi %add3A_138, %add3A_158 : i32
      %lt3A_160 = arith.constant 128 : i32
      %lt3A_161 = arith.cmpi slt, %add3A_159, %lt3A_160 : i32
      %convert_element_type3A_162 = arith.extui %lt3A_161 : i1 to i32
      %cond3A_163 = arith.constant 0 : i32
      %cond3A_164 = arith.cmpi ne, %convert_element_type3A_162, %cond3A_163 : i32
      scf.if %cond3A_164 {
        %mul3A_345 = arith.constant 1 : i32
        %mul3A_346 = arith.muli %add3A_159, %mul3A_345 : i32
        %add3A_347 = arith.constant 0 : i32
        %add3A_348 = arith.addi %mul3A_346, %add3A_347 : i32
        %dma_start3A_349 = arith.constant 1 : i32
        %dma_start3A_350 = arith.constant 0 : i32
        %dma_start3A_351 = arith.constant 0 : i32
        %dma_start3A_352 = tpu.memref_slice %arg7[%dma_start3A_349, %dma_start3A_350, %dma_start3A_351] : memref<8x128x64xf32, #tpu.memory_space<vmem>> -> memref<1x128x64xf32, #tpu.memory_space<vmem>>
        %dma_start3A_353 = tpu.memref_squeeze %dma_start3A_352 : memref<1x128x64xf32, #tpu.memory_space<vmem>> -> memref<128x64xf32, #tpu.memory_space<vmem>>
        %dma_start3A_354 = arith.constant 0 : i32
        %dma_start3A_355 = tpu.memref_slice %arg6[%add3A_348, %dma_start3A_354] : memref<128x128xi32, #tpu.memory_space<vmem>> -> memref<1x128xi32, #tpu.memory_space<vmem>>
        %dma_start3A_356 = tpu.memref_squeeze %dma_start3A_355 : memref<1x128xi32, #tpu.memory_space<vmem>> -> memref<128xi32, #tpu.memory_space<vmem>>
        %dma_start3A_357 = arith.constant 0 : i32
        %dma_start3A_358 = arith.constant 0 : i32
        %dma_start3A_359 = tpu.memref_slice %arg5[%dma_start3A_357, %dma_start3A_358] : memref<1001x64xf32, #tpu.memory_space<vmem_shared>> -> memref<1001x64xf32, #tpu.memory_space<vmem_shared>>
        tpu.enqueue_indirect_dma source(%dma_start3A_359 : memref<1001x64xf32, #tpu.memory_space<vmem_shared>>) target(%dma_start3A_353 : memref<128x64xf32, #tpu.memory_space<vmem>>) offsets(%dma_start3A_356 : memref<128xi32, #tpu.memory_space<vmem>>) semaphore(%arg9 : memref<!tpu.dma_semaphore, #tpu.memory_space<semaphore_mem>>)
      } else {
      }
      %mul3A_165 = arith.constant 8 : i32
      %mul3A_166 = arith.muli %scan3A_107, %mul3A_165 : i32
      %add3A_167 = arith.constant 2 : i32
      %add3A_168 = arith.addi %mul3A_166, %add3A_167 : i32
      %mul3A_169 = arith.constant 1 : i32
      %mul3A_170 = arith.muli %add3A_168, %mul3A_169 : i32
      %add3A_171 = arith.constant 0 : i32
      %add3A_172 = arith.addi %mul3A_170, %add3A_171 : i32
      %dma_wait3A_173 = arith.constant 2 : i32
      %dma_wait3A_174 = arith.constant 0 : i32
      %dma_wait3A_175 = arith.constant 0 : i32
      %dma_wait3A_176 = tpu.memref_slice %arg7[%dma_wait3A_173, %dma_wait3A_174, %dma_wait3A_175] : memref<8x128x64xf32, #tpu.memory_space<vmem>> -> memref<1x128x64xf32, #tpu.memory_space<vmem>>
      %dma_wait3A_177 = tpu.memref_squeeze %dma_wait3A_176 : memref<1x128x64xf32, #tpu.memory_space<vmem>> -> memref<128x64xf32, #tpu.memory_space<vmem>>
      %dma_wait3A_178 = arith.constant 0 : i32
      %dma_wait3A_179 = tpu.memref_slice %arg6[%add3A_172, %dma_wait3A_178] : memref<128x128xi32, #tpu.memory_space<vmem>> -> memref<1x128xi32, #tpu.memory_space<vmem>>
      %dma_wait3A_180 = tpu.memref_squeeze %dma_wait3A_179 : memref<1x128xi32, #tpu.memory_space<vmem>> -> memref<128xi32, #tpu.memory_space<vmem>>
      %dma_wait3A_181 = arith.constant 0 : i32
      %dma_wait3A_182 = arith.constant 0 : i32
      %dma_wait3A_183 = tpu.memref_slice %arg5[%dma_wait3A_181, %dma_wait3A_182] : memref<1001x64xf32, #tpu.memory_space<vmem_shared>> -> memref<1001x64xf32, #tpu.memory_space<vmem_shared>>
      tpu.wait_indirect_dma semaphore(%arg10 : memref<!tpu.dma_semaphore, #tpu.memory_space<semaphore_mem>>) src(%dma_wait3A_183 : memref<1001x64xf32, #tpu.memory_space<vmem_shared>>) dst(%dma_wait3A_177 : memref<128x64xf32, #tpu.memory_space<vmem>>)
      %mul3A_184 = arith.constant 128 : i32
      %mul3A_185 = arith.muli %add3A_168, %mul3A_184 : i32
      %add3A_186 = arith.addi %mul3A_2, %mul3A_185 : i32
      %run_scoped3A_187 = arith.constant 2 : i32
      "tpu.region"() ({
        %run_scoped3A_345 = tpu.sem_alloc : memref<!tpu.dma_semaphore, #tpu.memory_space<semaphore_mem>>
        %dma_start3A_346 = arith.constant 0 : i32
        %dma_start3A_347 = arith.constant 0 : i32
        %dma_start3A_348 = tpu.memref_slice %arg7[%run_scoped3A_187, %dma_start3A_346, %dma_start3A_347] : memref<8x128x64xf32, #tpu.memory_space<vmem>> -> memref<1x128x64xf32, #tpu.memory_space<vmem>>
        %dma_start3A_349 = tpu.memref_squeeze %dma_start3A_348 : memref<1x128x64xf32, #tpu.memory_space<vmem>> -> memref<128x64xf32, #tpu.memory_space<vmem>>
        %dma_start3A_350 = arith.constant 0 : i32
        %dma_start3A_351 = tpu.memref_slice %arg4[%add3A_186, %dma_start3A_350] : memref<524288x128xf32, #tpu.memory_space<hbm>> -> memref<128x64xf32, #tpu.memory_space<hbm>>
        %dma_start3A_352 = arith.constant 0 : i32
        %dma_start3A_353 = tpu.memref_slice %arg4[%add3A_186, %dma_start3A_352] : memref<524288x128xf32, #tpu.memory_space<hbm>> -> memref<128x64xf32, #tpu.memory_space<hbm>>
        %dma_start3A_354 = arith.constant 0 : i32
        %dma_start3A_355 = arith.constant 0 : i32
        %dma_start3A_356 = tpu.memref_slice %arg7[%run_scoped3A_187, %dma_start3A_354, %dma_start3A_355] : memref<8x128x64xf32, #tpu.memory_space<vmem>> -> memref<1x128x64xf32, #tpu.memory_space<vmem>>
        %dma_start3A_357 = tpu.memref_squeeze %dma_start3A_356 : memref<1x128x64xf32, #tpu.memory_space<vmem>> -> memref<128x64xf32, #tpu.memory_space<vmem>>
        tpu.enqueue_dma source(%dma_start3A_357 : memref<128x64xf32, #tpu.memory_space<vmem>>) target(%dma_start3A_353 : memref<128x64xf32, #tpu.memory_space<hbm>>) target_semaphore(%run_scoped3A_345 : memref<!tpu.dma_semaphore, #tpu.memory_space<semaphore_mem>>)
        %dma_wait3A_358 = arith.constant 0 : i32
        %dma_wait3A_359 = arith.constant 0 : i32
        %dma_wait3A_360 = tpu.memref_slice %arg7[%run_scoped3A_187, %dma_wait3A_358, %dma_wait3A_359] : memref<8x128x64xf32, #tpu.memory_space<vmem>> -> memref<1x128x64xf32, #tpu.memory_space<vmem>>
        %dma_wait3A_361 = tpu.memref_squeeze %dma_wait3A_360 : memref<1x128x64xf32, #tpu.memory_space<vmem>> -> memref<128x64xf32, #tpu.memory_space<vmem>>
        %dma_wait3A_362 = arith.constant 0 : i32
        %dma_wait3A_363 = tpu.memref_slice %arg4[%add3A_186, %dma_wait3A_362] : memref<524288x128xf32, #tpu.memory_space<hbm>> -> memref<128x64xf32, #tpu.memory_space<hbm>>
        %dma_wait3A_364 = arith.constant 0 : i32
        %dma_wait3A_365 = tpu.memref_slice %arg4[%add3A_186, %dma_wait3A_364] : memref<524288x128xf32, #tpu.memory_space<hbm>> -> memref<128x64xf32, #tpu.memory_space<hbm>>
        %dma_wait3A_366 = arith.constant 0 : i32
        %dma_wait3A_367 = arith.constant 0 : i32
        %dma_wait3A_368 = tpu.memref_slice %arg7[%run_scoped3A_187, %dma_wait3A_366, %dma_wait3A_367] : memref<8x128x64xf32, #tpu.memory_space<vmem>> -> memref<1x128x64xf32, #tpu.memory_space<vmem>>
        %dma_wait3A_369 = tpu.memref_squeeze %dma_wait3A_368 : memref<1x128x64xf32, #tpu.memory_space<vmem>> -> memref<128x64xf32, #tpu.memory_space<vmem>>
        tpu.wait_dma2 semaphore(%run_scoped3A_345 : memref<!tpu.dma_semaphore, #tpu.memory_space<semaphore_mem>>) src(%dma_wait3A_369 : memref<128x64xf32, #tpu.memory_space<vmem>>) dst(%dma_wait3A_365 : memref<128x64xf32, #tpu.memory_space<hbm>>)
        tpu.yield
      }) : () -> ()
      %add3A_188 = arith.constant 8 : i32
      %add3A_189 = arith.addi %add3A_168, %add3A_188 : i32
      %lt3A_190 = arith.constant 128 : i32
      %lt3A_191 = arith.cmpi slt, %add3A_189, %lt3A_190 : i32
      %convert_element_type3A_192 = arith.extui %lt3A_191 : i1 to i32
      %cond3A_193 = arith.constant 0 : i32
      %cond3A_194 = arith.cmpi ne, %convert_element_type3A_192, %cond3A_193 : i32
      scf.if %cond3A_194 {
        %mul3A_345 = arith.constant 1 : i32
        %mul3A_346 = arith.muli %add3A_189, %mul3A_345 : i32
        %add3A_347 = arith.constant 0 : i32
        %add3A_348 = arith.addi %mul3A_346, %add3A_347 : i32
        %dma_start3A_349 = arith.constant 2 : i32
        %dma_start3A_350 = arith.constant 0 : i32
        %dma_start3A_351 = arith.constant 0 : i32
        %dma_start3A_352 = tpu.memref_slice %arg7[%dma_start3A_349, %dma_start3A_350, %dma_start3A_351] : memref<8x128x64xf32, #tpu.memory_space<vmem>> -> memref<1x128x64xf32, #tpu.memory_space<vmem>>
        %dma_start3A_353 = tpu.memref_squeeze %dma_start3A_352 : memref<1x128x64xf32, #tpu.memory_space<vmem>> -> memref<128x64xf32, #tpu.memory_space<vmem>>
        %dma_start3A_354 = arith.constant 0 : i32
        %dma_start3A_355 = tpu.memref_slice %arg6[%add3A_348, %dma_start3A_354] : memref<128x128xi32, #tpu.memory_space<vmem>> -> memref<1x128xi32, #tpu.memory_space<vmem>>
        %dma_start3A_356 = tpu.memref_squeeze %dma_start3A_355 : memref<1x128xi32, #tpu.memory_space<vmem>> -> memref<128xi32, #tpu.memory_space<vmem>>
        %dma_start3A_357 = arith.constant 0 : i32
        %dma_start3A_358 = arith.constant 0 : i32
        %dma_start3A_359 = tpu.memref_slice %arg5[%dma_start3A_357, %dma_start3A_358] : memref<1001x64xf32, #tpu.memory_space<vmem_shared>> -> memref<1001x64xf32, #tpu.memory_space<vmem_shared>>
        tpu.enqueue_indirect_dma source(%dma_start3A_359 : memref<1001x64xf32, #tpu.memory_space<vmem_shared>>) target(%dma_start3A_353 : memref<128x64xf32, #tpu.memory_space<vmem>>) offsets(%dma_start3A_356 : memref<128xi32, #tpu.memory_space<vmem>>) semaphore(%arg10 : memref<!tpu.dma_semaphore, #tpu.memory_space<semaphore_mem>>)
      } else {
      }
      %mul3A_195 = arith.constant 8 : i32
      %mul3A_196 = arith.muli %scan3A_107, %mul3A_195 : i32
      %add3A_197 = arith.constant 3 : i32
      %add3A_198 = arith.addi %mul3A_196, %add3A_197 : i32
      %mul3A_199 = arith.constant 1 : i32
      %mul3A_200 = arith.muli %add3A_198, %mul3A_199 : i32
      %add3A_201 = arith.constant 0 : i32
      %add3A_202 = arith.addi %mul3A_200, %add3A_201 : i32
      %dma_wait3A_203 = arith.constant 3 : i32
      %dma_wait3A_204 = arith.constant 0 : i32
      %dma_wait3A_205 = arith.constant 0 : i32
      %dma_wait3A_206 = tpu.memref_slice %arg7[%dma_wait3A_203, %dma_wait3A_204, %dma_wait3A_205] : memref<8x128x64xf32, #tpu.memory_space<vmem>> -> memref<1x128x64xf32, #tpu.memory_space<vmem>>
      %dma_wait3A_207 = tpu.memref_squeeze %dma_wait3A_206 : memref<1x128x64xf32, #tpu.memory_space<vmem>> -> memref<128x64xf32, #tpu.memory_space<vmem>>
      %dma_wait3A_208 = arith.constant 0 : i32
      %dma_wait3A_209 = tpu.memref_slice %arg6[%add3A_202, %dma_wait3A_208] : memref<128x128xi32, #tpu.memory_space<vmem>> -> memref<1x128xi32, #tpu.memory_space<vmem>>
      %dma_wait3A_210 = tpu.memref_squeeze %dma_wait3A_209 : memref<1x128xi32, #tpu.memory_space<vmem>> -> memref<128xi32, #tpu.memory_space<vmem>>
      %dma_wait3A_211 = arith.constant 0 : i32
      %dma_wait3A_212 = arith.constant 0 : i32
      %dma_wait3A_213 = tpu.memref_slice %arg5[%dma_wait3A_211, %dma_wait3A_212] : memref<1001x64xf32, #tpu.memory_space<vmem_shared>> -> memref<1001x64xf32, #tpu.memory_space<vmem_shared>>
      tpu.wait_indirect_dma semaphore(%arg11 : memref<!tpu.dma_semaphore, #tpu.memory_space<semaphore_mem>>) src(%dma_wait3A_213 : memref<1001x64xf32, #tpu.memory_space<vmem_shared>>) dst(%dma_wait3A_207 : memref<128x64xf32, #tpu.memory_space<vmem>>)
      %mul3A_214 = arith.constant 128 : i32
      %mul3A_215 = arith.muli %add3A_198, %mul3A_214 : i32
      %add3A_216 = arith.addi %mul3A_2, %mul3A_215 : i32
      %run_scoped3A_217 = arith.constant 3 : i32
      "tpu.region"() ({
        %run_scoped3A_345 = tpu.sem_alloc : memref<!tpu.dma_semaphore, #tpu.memory_space<semaphore_mem>>
        %dma_start3A_346 = arith.constant 0 : i32
        %dma_start3A_347 = arith.constant 0 : i32
        %dma_start3A_348 = tpu.memref_slice %arg7[%run_scoped3A_217, %dma_start3A_346, %dma_start3A_347] : memref<8x128x64xf32, #tpu.memory_space<vmem>> -> memref<1x128x64xf32, #tpu.memory_space<vmem>>
        %dma_start3A_349 = tpu.memref_squeeze %dma_start3A_348 : memref<1x128x64xf32, #tpu.memory_space<vmem>> -> memref<128x64xf32, #tpu.memory_space<vmem>>
        %dma_start3A_350 = arith.constant 0 : i32
        %dma_start3A_351 = tpu.memref_slice %arg4[%add3A_216, %dma_start3A_350] : memref<524288x128xf32, #tpu.memory_space<hbm>> -> memref<128x64xf32, #tpu.memory_space<hbm>>
        %dma_start3A_352 = arith.constant 0 : i32
        %dma_start3A_353 = tpu.memref_slice %arg4[%add3A_216, %dma_start3A_352] : memref<524288x128xf32, #tpu.memory_space<hbm>> -> memref<128x64xf32, #tpu.memory_space<hbm>>
        %dma_start3A_354 = arith.constant 0 : i32
        %dma_start3A_355 = arith.constant 0 : i32
        %dma_start3A_356 = tpu.memref_slice %arg7[%run_scoped3A_217, %dma_start3A_354, %dma_start3A_355] : memref<8x128x64xf32, #tpu.memory_space<vmem>> -> memref<1x128x64xf32, #tpu.memory_space<vmem>>
        %dma_start3A_357 = tpu.memref_squeeze %dma_start3A_356 : memref<1x128x64xf32, #tpu.memory_space<vmem>> -> memref<128x64xf32, #tpu.memory_space<vmem>>
        tpu.enqueue_dma source(%dma_start3A_357 : memref<128x64xf32, #tpu.memory_space<vmem>>) target(%dma_start3A_353 : memref<128x64xf32, #tpu.memory_space<hbm>>) target_semaphore(%run_scoped3A_345 : memref<!tpu.dma_semaphore, #tpu.memory_space<semaphore_mem>>)
        %dma_wait3A_358 = arith.constant 0 : i32
        %dma_wait3A_359 = arith.constant 0 : i32
        %dma_wait3A_360 = tpu.memref_slice %arg7[%run_scoped3A_217, %dma_wait3A_358, %dma_wait3A_359] : memref<8x128x64xf32, #tpu.memory_space<vmem>> -> memref<1x128x64xf32, #tpu.memory_space<vmem>>
        %dma_wait3A_361 = tpu.memref_squeeze %dma_wait3A_360 : memref<1x128x64xf32, #tpu.memory_space<vmem>> -> memref<128x64xf32, #tpu.memory_space<vmem>>
        %dma_wait3A_362 = arith.constant 0 : i32
        %dma_wait3A_363 = tpu.memref_slice %arg4[%add3A_216, %dma_wait3A_362] : memref<524288x128xf32, #tpu.memory_space<hbm>> -> memref<128x64xf32, #tpu.memory_space<hbm>>
        %dma_wait3A_364 = arith.constant 0 : i32
        %dma_wait3A_365 = tpu.memref_slice %arg4[%add3A_216, %dma_wait3A_364] : memref<524288x128xf32, #tpu.memory_space<hbm>> -> memref<128x64xf32, #tpu.memory_space<hbm>>
        %dma_wait3A_366 = arith.constant 0 : i32
        %dma_wait3A_367 = arith.constant 0 : i32
        %dma_wait3A_368 = tpu.memref_slice %arg7[%run_scoped3A_217, %dma_wait3A_366, %dma_wait3A_367] : memref<8x128x64xf32, #tpu.memory_space<vmem>> -> memref<1x128x64xf32, #tpu.memory_space<vmem>>
        %dma_wait3A_369 = tpu.memref_squeeze %dma_wait3A_368 : memref<1x128x64xf32, #tpu.memory_space<vmem>> -> memref<128x64xf32, #tpu.memory_space<vmem>>
        tpu.wait_dma2 semaphore(%run_scoped3A_345 : memref<!tpu.dma_semaphore, #tpu.memory_space<semaphore_mem>>) src(%dma_wait3A_369 : memref<128x64xf32, #tpu.memory_space<vmem>>) dst(%dma_wait3A_365 : memref<128x64xf32, #tpu.memory_space<hbm>>)
        tpu.yield
      }) : () -> ()
      %add3A_218 = arith.constant 8 : i32
      %add3A_219 = arith.addi %add3A_198, %add3A_218 : i32
      %lt3A_220 = arith.constant 128 : i32
      %lt3A_221 = arith.cmpi slt, %add3A_219, %lt3A_220 : i32
      %convert_element_type3A_222 = arith.extui %lt3A_221 : i1 to i32
      %cond3A_223 = arith.constant 0 : i32
      %cond3A_224 = arith.cmpi ne, %convert_element_type3A_222, %cond3A_223 : i32
      scf.if %cond3A_224 {
        %mul3A_345 = arith.constant 1 : i32
        %mul3A_346 = arith.muli %add3A_219, %mul3A_345 : i32
        %add3A_347 = arith.constant 0 : i32
        %add3A_348 = arith.addi %mul3A_346, %add3A_347 : i32
        %dma_start3A_349 = arith.constant 3 : i32
        %dma_start3A_350 = arith.constant 0 : i32
        %dma_start3A_351 = arith.constant 0 : i32
        %dma_start3A_352 = tpu.memref_slice %arg7[%dma_start3A_349, %dma_start3A_350, %dma_start3A_351] : memref<8x128x64xf32, #tpu.memory_space<vmem>> -> memref<1x128x64xf32, #tpu.memory_space<vmem>>
        %dma_start3A_353 = tpu.memref_squeeze %dma_start3A_352 : memref<1x128x64xf32, #tpu.memory_space<vmem>> -> memref<128x64xf32, #tpu.memory_space<vmem>>
        %dma_start3A_354 = arith.constant 0 : i32
        %dma_start3A_355 = tpu.memref_slice %arg6[%add3A_348, %dma_start3A_354] : memref<128x128xi32, #tpu.memory_space<vmem>> -> memref<1x128xi32, #tpu.memory_space<vmem>>
        %dma_start3A_356 = tpu.memref_squeeze %dma_start3A_355 : memref<1x128xi32, #tpu.memory_space<vmem>> -> memref<128xi32, #tpu.memory_space<vmem>>
        %dma_start3A_357 = arith.constant 0 : i32
        %dma_start3A_358 = arith.constant 0 : i32
        %dma_start3A_359 = tpu.memref_slice %arg5[%dma_start3A_357, %dma_start3A_358] : memref<1001x64xf32, #tpu.memory_space<vmem_shared>> -> memref<1001x64xf32, #tpu.memory_space<vmem_shared>>
        tpu.enqueue_indirect_dma source(%dma_start3A_359 : memref<1001x64xf32, #tpu.memory_space<vmem_shared>>) target(%dma_start3A_353 : memref<128x64xf32, #tpu.memory_space<vmem>>) offsets(%dma_start3A_356 : memref<128xi32, #tpu.memory_space<vmem>>) semaphore(%arg11 : memref<!tpu.dma_semaphore, #tpu.memory_space<semaphore_mem>>)
      } else {
      }
      %mul3A_225 = arith.constant 8 : i32
      %mul3A_226 = arith.muli %scan3A_107, %mul3A_225 : i32
      %add3A_227 = arith.constant 4 : i32
      %add3A_228 = arith.addi %mul3A_226, %add3A_227 : i32
      %mul3A_229 = arith.constant 1 : i32
      %mul3A_230 = arith.muli %add3A_228, %mul3A_229 : i32
      %add3A_231 = arith.constant 0 : i32
      %add3A_232 = arith.addi %mul3A_230, %add3A_231 : i32
      %dma_wait3A_233 = arith.constant 4 : i32
      %dma_wait3A_234 = arith.constant 0 : i32
      %dma_wait3A_235 = arith.constant 0 : i32
      %dma_wait3A_236 = tpu.memref_slice %arg7[%dma_wait3A_233, %dma_wait3A_234, %dma_wait3A_235] : memref<8x128x64xf32, #tpu.memory_space<vmem>> -> memref<1x128x64xf32, #tpu.memory_space<vmem>>
      %dma_wait3A_237 = tpu.memref_squeeze %dma_wait3A_236 : memref<1x128x64xf32, #tpu.memory_space<vmem>> -> memref<128x64xf32, #tpu.memory_space<vmem>>
      %dma_wait3A_238 = arith.constant 0 : i32
      %dma_wait3A_239 = tpu.memref_slice %arg6[%add3A_232, %dma_wait3A_238] : memref<128x128xi32, #tpu.memory_space<vmem>> -> memref<1x128xi32, #tpu.memory_space<vmem>>
      %dma_wait3A_240 = tpu.memref_squeeze %dma_wait3A_239 : memref<1x128xi32, #tpu.memory_space<vmem>> -> memref<128xi32, #tpu.memory_space<vmem>>
      %dma_wait3A_241 = arith.constant 0 : i32
      %dma_wait3A_242 = arith.constant 0 : i32
      %dma_wait3A_243 = tpu.memref_slice %arg5[%dma_wait3A_241, %dma_wait3A_242] : memref<1001x64xf32, #tpu.memory_space<vmem_shared>> -> memref<1001x64xf32, #tpu.memory_space<vmem_shared>>
      tpu.wait_indirect_dma semaphore(%arg12 : memref<!tpu.dma_semaphore, #tpu.memory_space<semaphore_mem>>) src(%dma_wait3A_243 : memref<1001x64xf32, #tpu.memory_space<vmem_shared>>) dst(%dma_wait3A_237 : memref<128x64xf32, #tpu.memory_space<vmem>>)
      %mul3A_244 = arith.constant 128 : i32
      %mul3A_245 = arith.muli %add3A_228, %mul3A_244 : i32
      %add3A_246 = arith.addi %mul3A_2, %mul3A_245 : i32
      %run_scoped3A_247 = arith.constant 4 : i32
      "tpu.region"() ({
        %run_scoped3A_345 = tpu.sem_alloc : memref<!tpu.dma_semaphore, #tpu.memory_space<semaphore_mem>>
        %dma_start3A_346 = arith.constant 0 : i32
        %dma_start3A_347 = arith.constant 0 : i32
        %dma_start3A_348 = tpu.memref_slice %arg7[%run_scoped3A_247, %dma_start3A_346, %dma_start3A_347] : memref<8x128x64xf32, #tpu.memory_space<vmem>> -> memref<1x128x64xf32, #tpu.memory_space<vmem>>
        %dma_start3A_349 = tpu.memref_squeeze %dma_start3A_348 : memref<1x128x64xf32, #tpu.memory_space<vmem>> -> memref<128x64xf32, #tpu.memory_space<vmem>>
        %dma_start3A_350 = arith.constant 0 : i32
        %dma_start3A_351 = tpu.memref_slice %arg4[%add3A_246, %dma_start3A_350] : memref<524288x128xf32, #tpu.memory_space<hbm>> -> memref<128x64xf32, #tpu.memory_space<hbm>>
        %dma_start3A_352 = arith.constant 0 : i32
        %dma_start3A_353 = tpu.memref_slice %arg4[%add3A_246, %dma_start3A_352] : memref<524288x128xf32, #tpu.memory_space<hbm>> -> memref<128x64xf32, #tpu.memory_space<hbm>>
        %dma_start3A_354 = arith.constant 0 : i32
        %dma_start3A_355 = arith.constant 0 : i32
        %dma_start3A_356 = tpu.memref_slice %arg7[%run_scoped3A_247, %dma_start3A_354, %dma_start3A_355] : memref<8x128x64xf32, #tpu.memory_space<vmem>> -> memref<1x128x64xf32, #tpu.memory_space<vmem>>
        %dma_start3A_357 = tpu.memref_squeeze %dma_start3A_356 : memref<1x128x64xf32, #tpu.memory_space<vmem>> -> memref<128x64xf32, #tpu.memory_space<vmem>>
        tpu.enqueue_dma source(%dma_start3A_357 : memref<128x64xf32, #tpu.memory_space<vmem>>) target(%dma_start3A_353 : memref<128x64xf32, #tpu.memory_space<hbm>>) target_semaphore(%run_scoped3A_345 : memref<!tpu.dma_semaphore, #tpu.memory_space<semaphore_mem>>)
        %dma_wait3A_358 = arith.constant 0 : i32
        %dma_wait3A_359 = arith.constant 0 : i32
        %dma_wait3A_360 = tpu.memref_slice %arg7[%run_scoped3A_247, %dma_wait3A_358, %dma_wait3A_359] : memref<8x128x64xf32, #tpu.memory_space<vmem>> -> memref<1x128x64xf32, #tpu.memory_space<vmem>>
        %dma_wait3A_361 = tpu.memref_squeeze %dma_wait3A_360 : memref<1x128x64xf32, #tpu.memory_space<vmem>> -> memref<128x64xf32, #tpu.memory_space<vmem>>
        %dma_wait3A_362 = arith.constant 0 : i32
        %dma_wait3A_363 = tpu.memref_slice %arg4[%add3A_246, %dma_wait3A_362] : memref<524288x128xf32, #tpu.memory_space<hbm>> -> memref<128x64xf32, #tpu.memory_space<hbm>>
        %dma_wait3A_364 = arith.constant 0 : i32
        %dma_wait3A_365 = tpu.memref_slice %arg4[%add3A_246, %dma_wait3A_364] : memref<524288x128xf32, #tpu.memory_space<hbm>> -> memref<128x64xf32, #tpu.memory_space<hbm>>
        %dma_wait3A_366 = arith.constant 0 : i32
        %dma_wait3A_367 = arith.constant 0 : i32
        %dma_wait3A_368 = tpu.memref_slice %arg7[%run_scoped3A_247, %dma_wait3A_366, %dma_wait3A_367] : memref<8x128x64xf32, #tpu.memory_space<vmem>> -> memref<1x128x64xf32, #tpu.memory_space<vmem>>
        %dma_wait3A_369 = tpu.memref_squeeze %dma_wait3A_368 : memref<1x128x64xf32, #tpu.memory_space<vmem>> -> memref<128x64xf32, #tpu.memory_space<vmem>>
        tpu.wait_dma2 semaphore(%run_scoped3A_345 : memref<!tpu.dma_semaphore, #tpu.memory_space<semaphore_mem>>) src(%dma_wait3A_369 : memref<128x64xf32, #tpu.memory_space<vmem>>) dst(%dma_wait3A_365 : memref<128x64xf32, #tpu.memory_space<hbm>>)
        tpu.yield
      }) : () -> ()
      %add3A_248 = arith.constant 8 : i32
      %add3A_249 = arith.addi %add3A_228, %add3A_248 : i32
      %lt3A_250 = arith.constant 128 : i32
      %lt3A_251 = arith.cmpi slt, %add3A_249, %lt3A_250 : i32
      %convert_element_type3A_252 = arith.extui %lt3A_251 : i1 to i32
      %cond3A_253 = arith.constant 0 : i32
      %cond3A_254 = arith.cmpi ne, %convert_element_type3A_252, %cond3A_253 : i32
      scf.if %cond3A_254 {
        %mul3A_345 = arith.constant 1 : i32
        %mul3A_346 = arith.muli %add3A_249, %mul3A_345 : i32
        %add3A_347 = arith.constant 0 : i32
        %add3A_348 = arith.addi %mul3A_346, %add3A_347 : i32
        %dma_start3A_349 = arith.constant 4 : i32
        %dma_start3A_350 = arith.constant 0 : i32
        %dma_start3A_351 = arith.constant 0 : i32
        %dma_start3A_352 = tpu.memref_slice %arg7[%dma_start3A_349, %dma_start3A_350, %dma_start3A_351] : memref<8x128x64xf32, #tpu.memory_space<vmem>> -> memref<1x128x64xf32, #tpu.memory_space<vmem>>
        %dma_start3A_353 = tpu.memref_squeeze %dma_start3A_352 : memref<1x128x64xf32, #tpu.memory_space<vmem>> -> memref<128x64xf32, #tpu.memory_space<vmem>>
        %dma_start3A_354 = arith.constant 0 : i32
        %dma_start3A_355 = tpu.memref_slice %arg6[%add3A_348, %dma_start3A_354] : memref<128x128xi32, #tpu.memory_space<vmem>> -> memref<1x128xi32, #tpu.memory_space<vmem>>
        %dma_start3A_356 = tpu.memref_squeeze %dma_start3A_355 : memref<1x128xi32, #tpu.memory_space<vmem>> -> memref<128xi32, #tpu.memory_space<vmem>>
        %dma_start3A_357 = arith.constant 0 : i32
        %dma_start3A_358 = arith.constant 0 : i32
        %dma_start3A_359 = tpu.memref_slice %arg5[%dma_start3A_357, %dma_start3A_358] : memref<1001x64xf32, #tpu.memory_space<vmem_shared>> -> memref<1001x64xf32, #tpu.memory_space<vmem_shared>>
        tpu.enqueue_indirect_dma source(%dma_start3A_359 : memref<1001x64xf32, #tpu.memory_space<vmem_shared>>) target(%dma_start3A_353 : memref<128x64xf32, #tpu.memory_space<vmem>>) offsets(%dma_start3A_356 : memref<128xi32, #tpu.memory_space<vmem>>) semaphore(%arg12 : memref<!tpu.dma_semaphore, #tpu.memory_space<semaphore_mem>>)
      } else {
      }
      %mul3A_255 = arith.constant 8 : i32
      %mul3A_256 = arith.muli %scan3A_107, %mul3A_255 : i32
      %add3A_257 = arith.constant 5 : i32
      %add3A_258 = arith.addi %mul3A_256, %add3A_257 : i32
      %mul3A_259 = arith.constant 1 : i32
      %mul3A_260 = arith.muli %add3A_258, %mul3A_259 : i32
      %add3A_261 = arith.constant 0 : i32
      %add3A_262 = arith.addi %mul3A_260, %add3A_261 : i32
      %dma_wait3A_263 = arith.constant 5 : i32
      %dma_wait3A_264 = arith.constant 0 : i32
      %dma_wait3A_265 = arith.constant 0 : i32
      %dma_wait3A_266 = tpu.memref_slice %arg7[%dma_wait3A_263, %dma_wait3A_264, %dma_wait3A_265] : memref<8x128x64xf32, #tpu.memory_space<vmem>> -> memref<1x128x64xf32, #tpu.memory_space<vmem>>
      %dma_wait3A_267 = tpu.memref_squeeze %dma_wait3A_266 : memref<1x128x64xf32, #tpu.memory_space<vmem>> -> memref<128x64xf32, #tpu.memory_space<vmem>>
      %dma_wait3A_268 = arith.constant 0 : i32
      %dma_wait3A_269 = tpu.memref_slice %arg6[%add3A_262, %dma_wait3A_268] : memref<128x128xi32, #tpu.memory_space<vmem>> -> memref<1x128xi32, #tpu.memory_space<vmem>>
      %dma_wait3A_270 = tpu.memref_squeeze %dma_wait3A_269 : memref<1x128xi32, #tpu.memory_space<vmem>> -> memref<128xi32, #tpu.memory_space<vmem>>
      %dma_wait3A_271 = arith.constant 0 : i32
      %dma_wait3A_272 = arith.constant 0 : i32
      %dma_wait3A_273 = tpu.memref_slice %arg5[%dma_wait3A_271, %dma_wait3A_272] : memref<1001x64xf32, #tpu.memory_space<vmem_shared>> -> memref<1001x64xf32, #tpu.memory_space<vmem_shared>>
      tpu.wait_indirect_dma semaphore(%arg13 : memref<!tpu.dma_semaphore, #tpu.memory_space<semaphore_mem>>) src(%dma_wait3A_273 : memref<1001x64xf32, #tpu.memory_space<vmem_shared>>) dst(%dma_wait3A_267 : memref<128x64xf32, #tpu.memory_space<vmem>>)
      %mul3A_274 = arith.constant 128 : i32
      %mul3A_275 = arith.muli %add3A_258, %mul3A_274 : i32
      %add3A_276 = arith.addi %mul3A_2, %mul3A_275 : i32
      %run_scoped3A_277 = arith.constant 5 : i32
      "tpu.region"() ({
        %run_scoped3A_345 = tpu.sem_alloc : memref<!tpu.dma_semaphore, #tpu.memory_space<semaphore_mem>>
        %dma_start3A_346 = arith.constant 0 : i32
        %dma_start3A_347 = arith.constant 0 : i32
        %dma_start3A_348 = tpu.memref_slice %arg7[%run_scoped3A_277, %dma_start3A_346, %dma_start3A_347] : memref<8x128x64xf32, #tpu.memory_space<vmem>> -> memref<1x128x64xf32, #tpu.memory_space<vmem>>
        %dma_start3A_349 = tpu.memref_squeeze %dma_start3A_348 : memref<1x128x64xf32, #tpu.memory_space<vmem>> -> memref<128x64xf32, #tpu.memory_space<vmem>>
        %dma_start3A_350 = arith.constant 0 : i32
        %dma_start3A_351 = tpu.memref_slice %arg4[%add3A_276, %dma_start3A_350] : memref<524288x128xf32, #tpu.memory_space<hbm>> -> memref<128x64xf32, #tpu.memory_space<hbm>>
        %dma_start3A_352 = arith.constant 0 : i32
        %dma_start3A_353 = tpu.memref_slice %arg4[%add3A_276, %dma_start3A_352] : memref<524288x128xf32, #tpu.memory_space<hbm>> -> memref<128x64xf32, #tpu.memory_space<hbm>>
        %dma_start3A_354 = arith.constant 0 : i32
        %dma_start3A_355 = arith.constant 0 : i32
        %dma_start3A_356 = tpu.memref_slice %arg7[%run_scoped3A_277, %dma_start3A_354, %dma_start3A_355] : memref<8x128x64xf32, #tpu.memory_space<vmem>> -> memref<1x128x64xf32, #tpu.memory_space<vmem>>
        %dma_start3A_357 = tpu.memref_squeeze %dma_start3A_356 : memref<1x128x64xf32, #tpu.memory_space<vmem>> -> memref<128x64xf32, #tpu.memory_space<vmem>>
        tpu.enqueue_dma source(%dma_start3A_357 : memref<128x64xf32, #tpu.memory_space<vmem>>) target(%dma_start3A_353 : memref<128x64xf32, #tpu.memory_space<hbm>>) target_semaphore(%run_scoped3A_345 : memref<!tpu.dma_semaphore, #tpu.memory_space<semaphore_mem>>)
        %dma_wait3A_358 = arith.constant 0 : i32
        %dma_wait3A_359 = arith.constant 0 : i32
        %dma_wait3A_360 = tpu.memref_slice %arg7[%run_scoped3A_277, %dma_wait3A_358, %dma_wait3A_359] : memref<8x128x64xf32, #tpu.memory_space<vmem>> -> memref<1x128x64xf32, #tpu.memory_space<vmem>>
        %dma_wait3A_361 = tpu.memref_squeeze %dma_wait3A_360 : memref<1x128x64xf32, #tpu.memory_space<vmem>> -> memref<128x64xf32, #tpu.memory_space<vmem>>
        %dma_wait3A_362 = arith.constant 0 : i32
        %dma_wait3A_363 = tpu.memref_slice %arg4[%add3A_276, %dma_wait3A_362] : memref<524288x128xf32, #tpu.memory_space<hbm>> -> memref<128x64xf32, #tpu.memory_space<hbm>>
        %dma_wait3A_364 = arith.constant 0 : i32
        %dma_wait3A_365 = tpu.memref_slice %arg4[%add3A_276, %dma_wait3A_364] : memref<524288x128xf32, #tpu.memory_space<hbm>> -> memref<128x64xf32, #tpu.memory_space<hbm>>
        %dma_wait3A_366 = arith.constant 0 : i32
        %dma_wait3A_367 = arith.constant 0 : i32
        %dma_wait3A_368 = tpu.memref_slice %arg7[%run_scoped3A_277, %dma_wait3A_366, %dma_wait3A_367] : memref<8x128x64xf32, #tpu.memory_space<vmem>> -> memref<1x128x64xf32, #tpu.memory_space<vmem>>
        %dma_wait3A_369 = tpu.memref_squeeze %dma_wait3A_368 : memref<1x128x64xf32, #tpu.memory_space<vmem>> -> memref<128x64xf32, #tpu.memory_space<vmem>>
        tpu.wait_dma2 semaphore(%run_scoped3A_345 : memref<!tpu.dma_semaphore, #tpu.memory_space<semaphore_mem>>) src(%dma_wait3A_369 : memref<128x64xf32, #tpu.memory_space<vmem>>) dst(%dma_wait3A_365 : memref<128x64xf32, #tpu.memory_space<hbm>>)
        tpu.yield
      }) : () -> ()
      %add3A_278 = arith.constant 8 : i32
      %add3A_279 = arith.addi %add3A_258, %add3A_278 : i32
      %lt3A_280 = arith.constant 128 : i32
      %lt3A_281 = arith.cmpi slt, %add3A_279, %lt3A_280 : i32
      %convert_element_type3A_282 = arith.extui %lt3A_281 : i1 to i32
      %cond3A_283 = arith.constant 0 : i32
      %cond3A_284 = arith.cmpi ne, %convert_element_type3A_282, %cond3A_283 : i32
      scf.if %cond3A_284 {
        %mul3A_345 = arith.constant 1 : i32
        %mul3A_346 = arith.muli %add3A_279, %mul3A_345 : i32
        %add3A_347 = arith.constant 0 : i32
        %add3A_348 = arith.addi %mul3A_346, %add3A_347 : i32
        %dma_start3A_349 = arith.constant 5 : i32
        %dma_start3A_350 = arith.constant 0 : i32
        %dma_start3A_351 = arith.constant 0 : i32
        %dma_start3A_352 = tpu.memref_slice %arg7[%dma_start3A_349, %dma_start3A_350, %dma_start3A_351] : memref<8x128x64xf32, #tpu.memory_space<vmem>> -> memref<1x128x64xf32, #tpu.memory_space<vmem>>
        %dma_start3A_353 = tpu.memref_squeeze %dma_start3A_352 : memref<1x128x64xf32, #tpu.memory_space<vmem>> -> memref<128x64xf32, #tpu.memory_space<vmem>>
        %dma_start3A_354 = arith.constant 0 : i32
        %dma_start3A_355 = tpu.memref_slice %arg6[%add3A_348, %dma_start3A_354] : memref<128x128xi32, #tpu.memory_space<vmem>> -> memref<1x128xi32, #tpu.memory_space<vmem>>
        %dma_start3A_356 = tpu.memref_squeeze %dma_start3A_355 : memref<1x128xi32, #tpu.memory_space<vmem>> -> memref<128xi32, #tpu.memory_space<vmem>>
        %dma_start3A_357 = arith.constant 0 : i32
        %dma_start3A_358 = arith.constant 0 : i32
        %dma_start3A_359 = tpu.memref_slice %arg5[%dma_start3A_357, %dma_start3A_358] : memref<1001x64xf32, #tpu.memory_space<vmem_shared>> -> memref<1001x64xf32, #tpu.memory_space<vmem_shared>>
        tpu.enqueue_indirect_dma source(%dma_start3A_359 : memref<1001x64xf32, #tpu.memory_space<vmem_shared>>) target(%dma_start3A_353 : memref<128x64xf32, #tpu.memory_space<vmem>>) offsets(%dma_start3A_356 : memref<128xi32, #tpu.memory_space<vmem>>) semaphore(%arg13 : memref<!tpu.dma_semaphore, #tpu.memory_space<semaphore_mem>>)
      } else {
      }
      %mul3A_285 = arith.constant 8 : i32
      %mul3A_286 = arith.muli %scan3A_107, %mul3A_285 : i32
      %add3A_287 = arith.constant 6 : i32
      %add3A_288 = arith.addi %mul3A_286, %add3A_287 : i32
      %mul3A_289 = arith.constant 1 : i32
      %mul3A_290 = arith.muli %add3A_288, %mul3A_289 : i32
      %add3A_291 = arith.constant 0 : i32
      %add3A_292 = arith.addi %mul3A_290, %add3A_291 : i32
      %dma_wait3A_293 = arith.constant 6 : i32
      %dma_wait3A_294 = arith.constant 0 : i32
      %dma_wait3A_295 = arith.constant 0 : i32
      %dma_wait3A_296 = tpu.memref_slice %arg7[%dma_wait3A_293, %dma_wait3A_294, %dma_wait3A_295] : memref<8x128x64xf32, #tpu.memory_space<vmem>> -> memref<1x128x64xf32, #tpu.memory_space<vmem>>
      %dma_wait3A_297 = tpu.memref_squeeze %dma_wait3A_296 : memref<1x128x64xf32, #tpu.memory_space<vmem>> -> memref<128x64xf32, #tpu.memory_space<vmem>>
      %dma_wait3A_298 = arith.constant 0 : i32
      %dma_wait3A_299 = tpu.memref_slice %arg6[%add3A_292, %dma_wait3A_298] : memref<128x128xi32, #tpu.memory_space<vmem>> -> memref<1x128xi32, #tpu.memory_space<vmem>>
      %dma_wait3A_300 = tpu.memref_squeeze %dma_wait3A_299 : memref<1x128xi32, #tpu.memory_space<vmem>> -> memref<128xi32, #tpu.memory_space<vmem>>
      %dma_wait3A_301 = arith.constant 0 : i32
      %dma_wait3A_302 = arith.constant 0 : i32
      %dma_wait3A_303 = tpu.memref_slice %arg5[%dma_wait3A_301, %dma_wait3A_302] : memref<1001x64xf32, #tpu.memory_space<vmem_shared>> -> memref<1001x64xf32, #tpu.memory_space<vmem_shared>>
      tpu.wait_indirect_dma semaphore(%arg14 : memref<!tpu.dma_semaphore, #tpu.memory_space<semaphore_mem>>) src(%dma_wait3A_303 : memref<1001x64xf32, #tpu.memory_space<vmem_shared>>) dst(%dma_wait3A_297 : memref<128x64xf32, #tpu.memory_space<vmem>>)
      %mul3A_304 = arith.constant 128 : i32
      %mul3A_305 = arith.muli %add3A_288, %mul3A_304 : i32
      %add3A_306 = arith.addi %mul3A_2, %mul3A_305 : i32
      %run_scoped3A_307 = arith.constant 6 : i32
      "tpu.region"() ({
        %run_scoped3A_345 = tpu.sem_alloc : memref<!tpu.dma_semaphore, #tpu.memory_space<semaphore_mem>>
        %dma_start3A_346 = arith.constant 0 : i32
        %dma_start3A_347 = arith.constant 0 : i32
        %dma_start3A_348 = tpu.memref_slice %arg7[%run_scoped3A_307, %dma_start3A_346, %dma_start3A_347] : memref<8x128x64xf32, #tpu.memory_space<vmem>> -> memref<1x128x64xf32, #tpu.memory_space<vmem>>
        %dma_start3A_349 = tpu.memref_squeeze %dma_start3A_348 : memref<1x128x64xf32, #tpu.memory_space<vmem>> -> memref<128x64xf32, #tpu.memory_space<vmem>>
        %dma_start3A_350 = arith.constant 0 : i32
        %dma_start3A_351 = tpu.memref_slice %arg4[%add3A_306, %dma_start3A_350] : memref<524288x128xf32, #tpu.memory_space<hbm>> -> memref<128x64xf32, #tpu.memory_space<hbm>>
        %dma_start3A_352 = arith.constant 0 : i32
        %dma_start3A_353 = tpu.memref_slice %arg4[%add3A_306, %dma_start3A_352] : memref<524288x128xf32, #tpu.memory_space<hbm>> -> memref<128x64xf32, #tpu.memory_space<hbm>>
        %dma_start3A_354 = arith.constant 0 : i32
        %dma_start3A_355 = arith.constant 0 : i32
        %dma_start3A_356 = tpu.memref_slice %arg7[%run_scoped3A_307, %dma_start3A_354, %dma_start3A_355] : memref<8x128x64xf32, #tpu.memory_space<vmem>> -> memref<1x128x64xf32, #tpu.memory_space<vmem>>
        %dma_start3A_357 = tpu.memref_squeeze %dma_start3A_356 : memref<1x128x64xf32, #tpu.memory_space<vmem>> -> memref<128x64xf32, #tpu.memory_space<vmem>>
        tpu.enqueue_dma source(%dma_start3A_357 : memref<128x64xf32, #tpu.memory_space<vmem>>) target(%dma_start3A_353 : memref<128x64xf32, #tpu.memory_space<hbm>>) target_semaphore(%run_scoped3A_345 : memref<!tpu.dma_semaphore, #tpu.memory_space<semaphore_mem>>)
        %dma_wait3A_358 = arith.constant 0 : i32
        %dma_wait3A_359 = arith.constant 0 : i32
        %dma_wait3A_360 = tpu.memref_slice %arg7[%run_scoped3A_307, %dma_wait3A_358, %dma_wait3A_359] : memref<8x128x64xf32, #tpu.memory_space<vmem>> -> memref<1x128x64xf32, #tpu.memory_space<vmem>>
        %dma_wait3A_361 = tpu.memref_squeeze %dma_wait3A_360 : memref<1x128x64xf32, #tpu.memory_space<vmem>> -> memref<128x64xf32, #tpu.memory_space<vmem>>
        %dma_wait3A_362 = arith.constant 0 : i32
        %dma_wait3A_363 = tpu.memref_slice %arg4[%add3A_306, %dma_wait3A_362] : memref<524288x128xf32, #tpu.memory_space<hbm>> -> memref<128x64xf32, #tpu.memory_space<hbm>>
        %dma_wait3A_364 = arith.constant 0 : i32
        %dma_wait3A_365 = tpu.memref_slice %arg4[%add3A_306, %dma_wait3A_364] : memref<524288x128xf32, #tpu.memory_space<hbm>> -> memref<128x64xf32, #tpu.memory_space<hbm>>
        %dma_wait3A_366 = arith.constant 0 : i32
        %dma_wait3A_367 = arith.constant 0 : i32
        %dma_wait3A_368 = tpu.memref_slice %arg7[%run_scoped3A_307, %dma_wait3A_366, %dma_wait3A_367] : memref<8x128x64xf32, #tpu.memory_space<vmem>> -> memref<1x128x64xf32, #tpu.memory_space<vmem>>
        %dma_wait3A_369 = tpu.memref_squeeze %dma_wait3A_368 : memref<1x128x64xf32, #tpu.memory_space<vmem>> -> memref<128x64xf32, #tpu.memory_space<vmem>>
        tpu.wait_dma2 semaphore(%run_scoped3A_345 : memref<!tpu.dma_semaphore, #tpu.memory_space<semaphore_mem>>) src(%dma_wait3A_369 : memref<128x64xf32, #tpu.memory_space<vmem>>) dst(%dma_wait3A_365 : memref<128x64xf32, #tpu.memory_space<hbm>>)
        tpu.yield
      }) : () -> ()
      %add3A_308 = arith.constant 8 : i32
      %add3A_309 = arith.addi %add3A_288, %add3A_308 : i32
      %lt3A_310 = arith.constant 128 : i32
      %lt3A_311 = arith.cmpi slt, %add3A_309, %lt3A_310 : i32
      %convert_element_type3A_312 = arith.extui %lt3A_311 : i1 to i32
      %cond3A_313 = arith.constant 0 : i32
      %cond3A_314 = arith.cmpi ne, %convert_element_type3A_312, %cond3A_313 : i32
      scf.if %cond3A_314 {
        %mul3A_345 = arith.constant 1 : i32
        %mul3A_346 = arith.muli %add3A_309, %mul3A_345 : i32
        %add3A_347 = arith.constant 0 : i32
        %add3A_348 = arith.addi %mul3A_346, %add3A_347 : i32
        %dma_start3A_349 = arith.constant 6 : i32
        %dma_start3A_350 = arith.constant 0 : i32
        %dma_start3A_351 = arith.constant 0 : i32
        %dma_start3A_352 = tpu.memref_slice %arg7[%dma_start3A_349, %dma_start3A_350, %dma_start3A_351] : memref<8x128x64xf32, #tpu.memory_space<vmem>> -> memref<1x128x64xf32, #tpu.memory_space<vmem>>
        %dma_start3A_353 = tpu.memref_squeeze %dma_start3A_352 : memref<1x128x64xf32, #tpu.memory_space<vmem>> -> memref<128x64xf32, #tpu.memory_space<vmem>>
        %dma_start3A_354 = arith.constant 0 : i32
        %dma_start3A_355 = tpu.memref_slice %arg6[%add3A_348, %dma_start3A_354] : memref<128x128xi32, #tpu.memory_space<vmem>> -> memref<1x128xi32, #tpu.memory_space<vmem>>
        %dma_start3A_356 = tpu.memref_squeeze %dma_start3A_355 : memref<1x128xi32, #tpu.memory_space<vmem>> -> memref<128xi32, #tpu.memory_space<vmem>>
        %dma_start3A_357 = arith.constant 0 : i32
        %dma_start3A_358 = arith.constant 0 : i32
        %dma_start3A_359 = tpu.memref_slice %arg5[%dma_start3A_357, %dma_start3A_358] : memref<1001x64xf32, #tpu.memory_space<vmem_shared>> -> memref<1001x64xf32, #tpu.memory_space<vmem_shared>>
        tpu.enqueue_indirect_dma source(%dma_start3A_359 : memref<1001x64xf32, #tpu.memory_space<vmem_shared>>) target(%dma_start3A_353 : memref<128x64xf32, #tpu.memory_space<vmem>>) offsets(%dma_start3A_356 : memref<128xi32, #tpu.memory_space<vmem>>) semaphore(%arg14 : memref<!tpu.dma_semaphore, #tpu.memory_space<semaphore_mem>>)
      } else {
      }
      %mul3A_315 = arith.constant 8 : i32
      %mul3A_316 = arith.muli %scan3A_107, %mul3A_315 : i32
      %add3A_317 = arith.constant 7 : i32
      %add3A_318 = arith.addi %mul3A_316, %add3A_317 : i32
      %mul3A_319 = arith.constant 1 : i32
      %mul3A_320 = arith.muli %add3A_318, %mul3A_319 : i32
      %add3A_321 = arith.constant 0 : i32
      %add3A_322 = arith.addi %mul3A_320, %add3A_321 : i32
      %dma_wait3A_323 = arith.constant 7 : i32
      %dma_wait3A_324 = arith.constant 0 : i32
      %dma_wait3A_325 = arith.constant 0 : i32
      %dma_wait3A_326 = tpu.memref_slice %arg7[%dma_wait3A_323, %dma_wait3A_324, %dma_wait3A_325] : memref<8x128x64xf32, #tpu.memory_space<vmem>> -> memref<1x128x64xf32, #tpu.memory_space<vmem>>
      %dma_wait3A_327 = tpu.memref_squeeze %dma_wait3A_326 : memref<1x128x64xf32, #tpu.memory_space<vmem>> -> memref<128x64xf32, #tpu.memory_space<vmem>>
      %dma_wait3A_328 = arith.constant 0 : i32
      %dma_wait3A_329 = tpu.memref_slice %arg6[%add3A_322, %dma_wait3A_328] : memref<128x128xi32, #tpu.memory_space<vmem>> -> memref<1x128xi32, #tpu.memory_space<vmem>>
      %dma_wait3A_330 = tpu.memref_squeeze %dma_wait3A_329 : memref<1x128xi32, #tpu.memory_space<vmem>> -> memref<128xi32, #tpu.memory_space<vmem>>
      %dma_wait3A_331 = arith.constant 0 : i32
      %dma_wait3A_332 = arith.constant 0 : i32
      %dma_wait3A_333 = tpu.memref_slice %arg5[%dma_wait3A_331, %dma_wait3A_332] : memref<1001x64xf32, #tpu.memory_space<vmem_shared>> -> memref<1001x64xf32, #tpu.memory_space<vmem_shared>>
      tpu.wait_indirect_dma semaphore(%arg15 : memref<!tpu.dma_semaphore, #tpu.memory_space<semaphore_mem>>) src(%dma_wait3A_333 : memref<1001x64xf32, #tpu.memory_space<vmem_shared>>) dst(%dma_wait3A_327 : memref<128x64xf32, #tpu.memory_space<vmem>>)
      %mul3A_334 = arith.constant 128 : i32
      %mul3A_335 = arith.muli %add3A_318, %mul3A_334 : i32
      %add3A_336 = arith.addi %mul3A_2, %mul3A_335 : i32
      %run_scoped3A_337 = arith.constant 7 : i32
      "tpu.region"() ({
        %run_scoped3A_345 = tpu.sem_alloc : memref<!tpu.dma_semaphore, #tpu.memory_space<semaphore_mem>>
        %dma_start3A_346 = arith.constant 0 : i32
        %dma_start3A_347 = arith.constant 0 : i32
        %dma_start3A_348 = tpu.memref_slice %arg7[%run_scoped3A_337, %dma_start3A_346, %dma_start3A_347] : memref<8x128x64xf32, #tpu.memory_space<vmem>> -> memref<1x128x64xf32, #tpu.memory_space<vmem>>
        %dma_start3A_349 = tpu.memref_squeeze %dma_start3A_348 : memref<1x128x64xf32, #tpu.memory_space<vmem>> -> memref<128x64xf32, #tpu.memory_space<vmem>>
        %dma_start3A_350 = arith.constant 0 : i32
        %dma_start3A_351 = tpu.memref_slice %arg4[%add3A_336, %dma_start3A_350] : memref<524288x128xf32, #tpu.memory_space<hbm>> -> memref<128x64xf32, #tpu.memory_space<hbm>>
        %dma_start3A_352 = arith.constant 0 : i32
        %dma_start3A_353 = tpu.memref_slice %arg4[%add3A_336, %dma_start3A_352] : memref<524288x128xf32, #tpu.memory_space<hbm>> -> memref<128x64xf32, #tpu.memory_space<hbm>>
        %dma_start3A_354 = arith.constant 0 : i32
        %dma_start3A_355 = arith.constant 0 : i32
        %dma_start3A_356 = tpu.memref_slice %arg7[%run_scoped3A_337, %dma_start3A_354, %dma_start3A_355] : memref<8x128x64xf32, #tpu.memory_space<vmem>> -> memref<1x128x64xf32, #tpu.memory_space<vmem>>
        %dma_start3A_357 = tpu.memref_squeeze %dma_start3A_356 : memref<1x128x64xf32, #tpu.memory_space<vmem>> -> memref<128x64xf32, #tpu.memory_space<vmem>>
        tpu.enqueue_dma source(%dma_start3A_357 : memref<128x64xf32, #tpu.memory_space<vmem>>) target(%dma_start3A_353 : memref<128x64xf32, #tpu.memory_space<hbm>>) target_semaphore(%run_scoped3A_345 : memref<!tpu.dma_semaphore, #tpu.memory_space<semaphore_mem>>)
        %dma_wait3A_358 = arith.constant 0 : i32
        %dma_wait3A_359 = arith.constant 0 : i32
        %dma_wait3A_360 = tpu.memref_slice %arg7[%run_scoped3A_337, %dma_wait3A_358, %dma_wait3A_359] : memref<8x128x64xf32, #tpu.memory_space<vmem>> -> memref<1x128x64xf32, #tpu.memory_space<vmem>>
        %dma_wait3A_361 = tpu.memref_squeeze %dma_wait3A_360 : memref<1x128x64xf32, #tpu.memory_space<vmem>> -> memref<128x64xf32, #tpu.memory_space<vmem>>
        %dma_wait3A_362 = arith.constant 0 : i32
        %dma_wait3A_363 = tpu.memref_slice %arg4[%add3A_336, %dma_wait3A_362] : memref<524288x128xf32, #tpu.memory_space<hbm>> -> memref<128x64xf32, #tpu.memory_space<hbm>>
        %dma_wait3A_364 = arith.constant 0 : i32
        %dma_wait3A_365 = tpu.memref_slice %arg4[%add3A_336, %dma_wait3A_364] : memref<524288x128xf32, #tpu.memory_space<hbm>> -> memref<128x64xf32, #tpu.memory_space<hbm>>
        %dma_wait3A_366 = arith.constant 0 : i32
        %dma_wait3A_367 = arith.constant 0 : i32
        %dma_wait3A_368 = tpu.memref_slice %arg7[%run_scoped3A_337, %dma_wait3A_366, %dma_wait3A_367] : memref<8x128x64xf32, #tpu.memory_space<vmem>> -> memref<1x128x64xf32, #tpu.memory_space<vmem>>
        %dma_wait3A_369 = tpu.memref_squeeze %dma_wait3A_368 : memref<1x128x64xf32, #tpu.memory_space<vmem>> -> memref<128x64xf32, #tpu.memory_space<vmem>>
        tpu.wait_dma2 semaphore(%run_scoped3A_345 : memref<!tpu.dma_semaphore, #tpu.memory_space<semaphore_mem>>) src(%dma_wait3A_369 : memref<128x64xf32, #tpu.memory_space<vmem>>) dst(%dma_wait3A_365 : memref<128x64xf32, #tpu.memory_space<hbm>>)
        tpu.yield
      }) : () -> ()
      %add3A_338 = arith.constant 8 : i32
      %add3A_339 = arith.addi %add3A_318, %add3A_338 : i32
      %lt3A_340 = arith.constant 128 : i32
      %lt3A_341 = arith.cmpi slt, %add3A_339, %lt3A_340 : i32
      %convert_element_type3A_342 = arith.extui %lt3A_341 : i1 to i32
      %cond3A_343 = arith.constant 0 : i32
      %cond3A_344 = arith.cmpi ne, %convert_element_type3A_342, %cond3A_343 : i32
      scf.if %cond3A_344 {
        %mul3A_345 = arith.constant 1 : i32
        %mul3A_346 = arith.muli %add3A_339, %mul3A_345 : i32
        %add3A_347 = arith.constant 0 : i32
        %add3A_348 = arith.addi %mul3A_346, %add3A_347 : i32
        %dma_start3A_349 = arith.constant 7 : i32
        %dma_start3A_350 = arith.constant 0 : i32
        %dma_start3A_351 = arith.constant 0 : i32
        %dma_start3A_352 = tpu.memref_slice %arg7[%dma_start3A_349, %dma_start3A_350, %dma_start3A_351] : memref<8x128x64xf32, #tpu.memory_space<vmem>> -> memref<1x128x64xf32, #tpu.memory_space<vmem>>
        %dma_start3A_353 = tpu.memref_squeeze %dma_start3A_352 : memref<1x128x64xf32, #tpu.memory_space<vmem>> -> memref<128x64xf32, #tpu.memory_space<vmem>>
        %dma_start3A_354 = arith.constant 0 : i32
        %dma_start3A_355 = tpu.memref_slice %arg6[%add3A_348, %dma_start3A_354] : memref<128x128xi32, #tpu.memory_space<vmem>> -> memref<1x128xi32, #tpu.memory_space<vmem>>
        %dma_start3A_356 = tpu.memref_squeeze %dma_start3A_355 : memref<1x128xi32, #tpu.memory_space<vmem>> -> memref<128xi32, #tpu.memory_space<vmem>>
        %dma_start3A_357 = arith.constant 0 : i32
        %dma_start3A_358 = arith.constant 0 : i32
        %dma_start3A_359 = tpu.memref_slice %arg5[%dma_start3A_357, %dma_start3A_358] : memref<1001x64xf32, #tpu.memory_space<vmem_shared>> -> memref<1001x64xf32, #tpu.memory_space<vmem_shared>>
        tpu.enqueue_indirect_dma source(%dma_start3A_359 : memref<1001x64xf32, #tpu.memory_space<vmem_shared>>) target(%dma_start3A_353 : memref<128x64xf32, #tpu.memory_space<vmem>>) offsets(%dma_start3A_356 : memref<128xi32, #tpu.memory_space<vmem>>) semaphore(%arg15 : memref<!tpu.dma_semaphore, #tpu.memory_space<semaphore_mem>>)
      } else {
      }
    }
    %scan3A_106 = arith.constant 16 : i32
    return
  }
}

</mosaic_0001>

<sc_bundles>
// kernel: _gather.3.cloned.1.call-start
scs
__scs_entry_jumppad:
0x0: {  	(pc) =	sbr.rel $0x88, $3  }
0x1: {  	(tag) =	ssettag $0x0;
	lr =	simm.s32 $0x1  }
0x2: {  	[smem:$0x3F9F] =	sst lr;
	_ =	strace $0xD0000000  }
0x3: {  	_ = 	snop  }
0x4: {  	_ = 	snop  }
0x5: {  	_ = 	snop  }
0x6: {  	_ = 	snop  }
0x7: {  	_ = 	snop  }
__scs_overlays_trampoline_lowered:
0x8: {  	[smem:$0x3FAE] =	sst s0  }
0x9: {  	[smem:$0x3FAF] =	sst s1  }
0xa: {  	[smem:$0x3FB0] =	sst s2  }
0xb: {  	[smem:$0x3FB1] =	sst s3  }
0xc: {  	[smem:$0x3FB2] =	sst s4  }
0xd: {  	[smem:$0x3FB3] =	sst s5  }
0xe: {  	[smem:$0x3FB4] =	sst s6  }
0xf: {  	[smem:$0x3FB5] =	sst s7  }
0x10: {  	[smem:$0x3FB6] =	sst s8  }
0x11: {  	[smem:$0x3FB7] =	sst s9;
	s0 =	simm.s32 @!p0 $0x0  }
0x12: {  	s1 =	sld [smem:$0x3F9D];
	s0 =	simm.s32 @p0 $0x1  }
0x13: {  	[smem:$0x3FB8] =	sst s0;
	s0 =	simm.s32 @!p1 $0x0  }
0x14: {  	s2 =	sld [smem:$0x3F9C];
	s0 =	simm.s32 @p1 $0x1  }
0x15: {  	[smem:$0x3FB9] =	sst s0;
	s0 =	simm.s32 @!p2 $0x0  }
0x16: {  	s3 =	sld [smem:$0x3FDB];
	s0 =	simm.s32 @p2 $0x1  }
0x17: {  	s4 =	simm.s32 $0x1BF5;
	[smem:$0x3FBB] =	sst s0  }
0x18: {  	s0 =	sld [smem:$0x3F9E];
	_ =	swait.ge [sflag:s4], $0x0  }
0x19: {  	s7 =	sld [smem:$0x3F9F]  }
0x1a: {  	s8 =	sadd.s32 $0xFFFFE003, lr  }
0x1b: {  	s9 =	sadd.s32 $0xFFFFFEF7, lr;
	s5 =	simm.s32 $0xFFFFFFFF;
	p2 =	slt.u32 s8, $0xFFFFF086  }
0x1c: {  	p1 =	slt.u32 s9, $0xF7A;
	s5 =	simm.s32 @!p2 $0x0  }
0x1d: {  	s5 =	simm.s32 @p1 $0x1;
	p0 =	seq.s32 s7, s2  }
0x1e: {  	s7 =	smul.u32 @!p0 $0xF7A, s2;
	p2 =	seq.s32 @!p0 s5, $0x0  }
0x1f: {  	s9 =	smul.u32 $0xF7A, s1;
	s8 =	simm.s32 @!p0 $0x1BF5;
	p2 =	por !p2, p0  }
0x20: {  	[sflag:s8] =	ssyncset.s32 @!p0 $0xFFFFF086;
	s6 =	sadd.s32 @!p0 s3, s7;
	s7 =	simm.s32 @!p0 $0x108  }
0x21: {  	s3 =	sadd.s32 s3, s9;
	s6 =	sadd.s32 @!p0 $0x88, s6;
	s7 =	simm.s32 @p2 $0x1082  }
0x22: {  	[simem:s7], [sflag:s8] =	dma.local @!p0 [hbm:s6], $0xF7A  }
0x23: {  	s9 =	sor.u32 $0xD0000000, s2;
	s6 =	simm.s32 $0x108;
	_ =	swait.ge @!p0 [sflag:s8], $0x0  }
0x24: {  	s3 =	sadd.s32 $0x88, s3;
	s6 =	simm.s32 @!p1 $0x1082;
	[sflag:s4] =	ssyncset.s32 $0xFFFFF086  }
0x25: {  	[simem:s6], [sflag:s4] =	dma.local [hbm:s3], $0xF7A  }
0x26: {  	[smem:$0x3F9F] =	sst s1;
	(tag) =	ssettag s2;
	_ =	strace s9  }
0x27: {  	s1 =	sld [smem:$0x3FAF]  }
0x28: {  	s2 =	sld [smem:$0x3FB0]  }
0x29: {  	s4 =	sld [smem:$0x3FB2]  }
0x2a: {  	p0 =	seq.s32 s5, $0x0;
	s5 =	sld [smem:$0x3FB3]  }
0x2b: {  	s6 =	sld [smem:$0x3FB4]  }
0x2c: {  	s7 =	sld [smem:$0x3FB5]  }
0x2d: {  	s3 =	simm.s32 $0x108;
	s8 =	sld [smem:$0x3FB6]  }
0x2e: {  	s3 =	simm.s32 @!p0 $0x1082;
	s9 =	sld [smem:$0x3FB7]  }
0x2f: {  	lr =	sadd.s32 s0, s3;
	s0 =	sld [smem:$0x3FAE]  }
0x30: {  	s3 =	sld [smem:$0x3FB1]  }
0x31: {  	[smem:$0x3FBA] =	sst s10  }
0x32: {  	s10 =	sld [smem:$0x3FB8];
	_ =	sdelay $0x3  }
0x33: {  	p0 =	seq.s32 s10, $0x1;
	s10 =	sld [smem:$0x3FBA];
	_ =	sdelay $0x3  }
0x34: {  	[smem:$0x3FBA] =	sst s10  }
0x35: {  	s10 =	sld [smem:$0x3FB9];
	_ =	sdelay $0x3  }
0x36: {  	p1 =	seq.s32 s10, $0x1;
	s10 =	sld [smem:$0x3FBA];
	_ =	sdelay $0x3  }
0x37: {  	[smem:$0x3FBA] =	sst s10  }
0x38: {  	s10 =	sld [smem:$0x3FBB]  }
0x39: {  	_ = 	snop;
	(pc) =	sbr.ind lr, $3  }
0x3a: {  	_ = 	snop  }
0x3b: {  	_ = 	snop  }
0x3c: {  	p2 =	seq.s32 s10, $0x1;
	s10 =	sld [smem:$0x3FBA]  }
0x3d: {  	_ =	shalt  }
0x3e: {  	_ =	shalt  }
0x3f: {  	_ =	shalt  }
0x40: {  	_ =	shalt  }
0x41: {  	_ =	shalt  }
0x42: {  	_ =	shalt  }
0x43: {  	_ =	shalt  }
0x44: {  	_ =	shalt  }
0x45: {  	_ =	shalt  }
0x46: {  	_ =	shalt  }
0x47: {  	_ =	shalt  }
0x48: {  	_ =	shalt  }
0x49: {  	_ =	shalt  }
0x4a: {  	_ =	shalt  }
0x4b: {  	_ =	shalt  }
0x4c: {  	_ =	shalt  }
0x4d: {  	_ =	shalt  }
0x4e: {  	_ =	shalt  }
0x4f: {  	_ =	shalt  }
0x50: {  	_ =	shalt  }
0x51: {  	_ =	shalt  }
0x52: {  	_ =	shalt  }
0x53: {  	_ =	shalt  }
0x54: {  	_ =	shalt  }
0x55: {  	_ =	shalt  }
0x56: {  	_ =	shalt  }
0x57: {  	_ =	shalt  }
0x58: {  	_ =	shalt  }
0x59: {  	_ =	shalt  }
0x5a: {  	_ =	shalt  }
0x5b: {  	_ =	shalt  }
0x5c: {  	_ =	shalt  }
0x5d: {  	_ =	shalt  }
0x5e: {  	_ =	shalt  }
0x5f: {  	_ =	shalt  }
0x60: {  	_ =	shalt  }
0x61: {  	_ =	shalt  }
0x62: {  	_ =	shalt  }
0x63: {  	_ =	shalt  }
0x64: {  	_ =	shalt  }
0x65: {  	_ =	shalt  }
0x66: {  	_ =	shalt  }
0x67: {  	_ =	shalt  }
0x68: {  	_ =	shalt  }
0x69: {  	_ =	shalt  }
0x6a: {  	_ =	shalt  }
0x6b: {  	_ =	shalt  }
0x6c: {  	_ =	shalt  }
0x6d: {  	_ =	shalt  }
0x6e: {  	_ =	shalt  }
0x6f: {  	_ =	shalt  }
0x70: {  	_ =	shalt  }
0x71: {  	_ =	shalt  }
0x72: {  	_ =	shalt  }
0x73: {  	_ =	shalt  }
0x74: {  	_ =	shalt  }
0x75: {  	_ =	shalt  }
0x76: {  	_ =	shalt  }
0x77: {  	_ =	shalt  }
0x78: {  	_ =	shalt  }
0x79: {  	_ =	shalt  }
0x7a: {  	_ =	shalt  }
0x7b: {  	_ =	shalt  }
0x7c: {  	_ =	shalt  }
0x7d: {  	_ =	shalt  }
0x7e: {  	_ =	shalt  }
0x7f: {  	_ =	shalt  }
0x80: {  	_ =	shalt  }
0x81: {  	_ =	shalt  }
0x82: {  	_ =	shalt  }
0x83: {  	_ =	shalt  }
0x84: {  	_ =	shalt  }
0x85: {  	_ =	shalt  }
0x86: {  	_ =	shalt  }
0x87: {  	_ =	shalt  }
.Lfunc_end0:
.L_simem_size_0:
called_computation_lowered:
.L_overlay_start_0:
0x88: {  	s2 =	sld [smem:$0x3FD9]  }
0x89: {  	s3 =	sld [smem:$0x3FFE];
	_ =	sdelay $0x1  }
0x8a: {  	s1 =	srdreg.scid  }
0x8b: {  	s0 =	sand.u32 $0x1, s1  }
0x8c: {  	s18 =	sshll.u32 s0, $0xA;
	s2 =	sadd.s32 s3, s2  }
0x8d: {  	s2 =	sadd.s32 s2, s18  }
0x8e: {  	[smem:$0x3FC6] =	sst s2  }
0x8f: {  	_ = 	snop  }
0x90: {  	s2 =	sld [smem:$0x3FC9]  }
0x91: {  	s19 =	sld [smem:$0x3FC8]  }
0x92: {  	s4 =	sld [smem:$0x3FD0];
	(tm) =	ssettm $0x1  }
0x93: {  	s5 =	sld [smem:$0x3FFB];
	_ =	sdelay $0x3  }
0x94: {  	_ =	strace s5  }
0x95: {  	s5 =	sld [smem:$0x3FFC];
	_ =	sdelay $0x3  }
0x96: {  	_ =	strace s5  }
0x97: {  	s5 =	sld [smem:$0x3FFD];
	_ =	sdelay $0x3  }
0x98: {  	_ =	strace s5  }
0x99: {  	_ =	strace $0x8FFFFFFF  }
0x9a: {  	s20 =	sld [smem:$0x3FDB];
	_ =	sdelay $0x1  }
0x9b: {  	s6 =	simm.s32 $_scs_section_size  }
0x9c: {  	s7 =	simm.s32 $_size__tile_overlayer_lowered;
	s8 =	simm.s32 $_tile_overlayer_lowered  }
0x9d: {  	s23 =	simm.s32 $0x1BFF;
	s22 =	sshll.u32 s8, $0x1;
	s5 =	sadd.s32 s6, s20  }
0x9e: {  	s9 =	simm.s32 $0x0;
	s21 =	sshll.u32 s7, $0x1;
	s7 =	sadd.s32 s22, s5  }
0x9f: {  	[timem:s9], [sflag:s23] =	dma.local [hbm:s7], s21  }
0xa0: {  	_ =	swait.ge [sflag:s23], s21  }
0xa1: {  	s6 =	ssub.s32 $0x0, s21;
	[sflag:s23] =	ssyncset.done $0x0  }
0xa2: {  	[sflag:s23] =	ssyncadd.s32 s6;
	_ =	sdelay $0x1  }
0xa3: {  	s24 =	simm.s32 $0x1B8B  }
0xa4: {  	_ =	swait.ge [sflag:s24], $0x1  }
0xa5: {  	[sflag:s24] =	ssyncset.done $0x0  }
0xa6: {  	s25 =	simm.s32 $0x1B8E;
	[sflag:s24] =	ssyncadd.s32 $0xFFFFFFFF  }
0xa7: {  	s26 =	simm.s32 $execute0_lowered;
	[smem:$0x3FD2] =	sst s25  }
0xa8: {  	s6 =	sshll.u32 s26, $0x1;
	_ =	strace $0x80000046;
	[dreg:$0x1] =	wrdreg $0xFFFFFFFF  }
0xa9: {  	s28 =	simm.s32 $_size_execute0_lowered;
	s5 =	sadd.s32 s5, s6;
	[dreg:$0x0] =	wrdreg $0x0  }
0xaa: {  	s6 =	sshll.u32 s28, $0x1;
	[dreg:$0x2] =	wrdreg s5  }
0xab: {  	[dreg:$0x3] =	wrdreg s6  }
0xac: {  	[dreg:$0x4] =	wrdreg $0xC0  }
0xad: {  	_ =	task [dreg:s9], $0x5FFFF  }
0xae: {  	[dreg:$0x1] =	wrdreg $0xFFFFFFFF  }
0xaf: {  	[dreg:$0x0] =	wrdreg $0x60  }
0xb0: {  	[dreg:$0x2] =	wrdreg s2  }
0xb1: {  	[dreg:$0x3] =	wrdreg s19  }
0xb2: {  	[dreg:$0x4] =	wrdreg s4  }
0xb3: {  	[dreg:$0x5] =	wrdreg $0x0  }
0xb4: {  	[dreg:$0x6] =	wrdreg $0x9  }
0xb5: {  	_ =	task.clear_ibuf [dreg:s9], $0x7FFFF;
	_ =	strace $0x90000046  }
0xb6: {  	s29 =	simm.s32 $0x9;
	_ =	strace $0x80000048  }
0xb7: {  	_ =	swait.ge [sflag:s29], $0x1  }
0xb8: {  	[sflag:s29] =	ssyncadd.s32 $0xFFFFFFFF  }
0xb9: {  	_ =	strace $0x90000048  }
0xba: {  	_ =	sfence  }
0xbb: {  	s30 =	sld [smem:$0x0];
	_ =	sdelay $0x2  }
0xbc: {  	s31 =	sshll.u32 s1, $0xD;
	s1 =	sshrl.u32 s1, $0x2  }
0xbd: {  	s3 =	sand.u32 $0x4000, s31;
	s1 =	sadd.s32 s1, s30  }
0xbe: {  	s0 =	sor.u32 s3, s0;
	s1 =	sshll.u32 s1, $0x11  }
0xbf: {  	s0 =	sor.u32 s1, s0  }
0xc0: {  	s0 =	sadd.s32 $0x8F2B, s0  }
0xc1: {  	[sflag:s0] =	ssyncadd.remote.s32 $0x1  }
0xc2: {  	_ =	sfence.sel $0xFFFF  }
0xc3: {  	[dreg:$0x0] =	wrdreg $0xFFFFFFFF;
	(pc) =	sbr.abs _section_cstart, $3  }
0xc4: {  	[dreg:$0x1] =	wrdreg $0xFFFFFFFF  }
0xc5: {  	_ =	task.clear_ibuf [dreg:s9], $0x2FFFF;
	_ =	strace $0x9FFFFFFF  }
0xc6: {  	(tm) =	ssettm $0x7FFFFFFF  }
0xc7: {  	_ =	shalt  }
tec
execute0_lowered:
.L_overlay_start_1:
0x0: {  	(tag) =	ssettag $0x1  }
0x1: {  	s0 =	rddreg [dreg:$0x1]  }
0x2: {  	s1 =	rddreg [dreg:$0x2]  }
0x3: {  	s2 =	rddreg [dreg:$0x3];
	s3 =	srdreg.scid;
	s4 =	simm.s32 $0x0  }
0x4: {  	s21 =	stileid.u32;
	s16 =	simm.s32 $0x9;
	s17 =	simm.s32 $0x80  }
0x5: {  	s29 =	simm.s32 $0xEFA8;
	s31 =	simm.s32 $0x10FA8;
	s19 =	simm.s32 $0x40  }
0x6: {  	s28 =	simm.s32 $0x5;
	s30 =	simm.s32 $0x6;
	s14 =	simm.s32 $0x0  }
0x7: {  	s3 =	sand.u32 $0x1, s3;
	[smem:$0x7FF] =	sst s4;
	s7 =	sshll.u32 s21, $0xC  }
0x8: {  	s13 =	sshll.u32 s21, $0x13;
	p0 =	sne.s32 s21, $0x0;
	s21 =	simm.s32 $0x2  }
0x9: {  	s4 =	simm.s32 $0x8;
	s5 =	ssub.s32 $0x2, s3;
	_ =	strace $0x80000047  }
0xa: {  	s8 =	sshll.u32 s3, $0xB;
	s3 =	sshll.u32 s3, $0x12;
	s26 =	sadd.s32 s13, s1  }
0xb: {  	s6 =	sshrl.u32 s5, $0x1;
	s22 =	sor.u32 s8, s7;
	s23 =	sor.u32 s3, s13  }
0xc: {  	s13 =	sadd.s32 s3, s26;
	s26 =	simm.s32 $0xCFA8;
	s3 =	simm.s32 $0x1  }
0xd: {  	s5 =	ssub.s32 s5, s6;
	s0 =	sadd.s32 s0, s22;
	s25 =	sadd.s32 s23, s1  }
0xe: {  	s1 =	simm.s32 $0x12FA8;
	s23 =	simm.s32 $0x3;
	[dreg:$0x5] =	wrdreg s0  }
.Ltmp0:
0xf: {  	s24 =	smax.u32 s5, $0x1;
	s6 =	sadd.s32 $0x3800, s25;
	(pc) =	sbr.rel .LBB2_1-.Ltmp0, $4  }
0x10: {  	s7 =	sadd.s32 $0x3000, s25;
	s8 =	sadd.s32 $0x2800, s25;
	s9 =	sadd.s32 $0x2000, s25  }
0x11: {  	s10 =	sadd.s32 $0x1800, s25;
	s11 =	sadd.s32 $0x1000, s25;
	s12 =	sadd.s32 $0x800, s25  }
0x12: {  	s0 =	sshrl.u32 @!p0 s2, $0x3;
	s25 =	simm.s32 $0x4;
	[dreg:$0x6] =	wrdreg s24  }
0x13: {  	[dreg:$0x7] =	wrdreg s0;
	s24 =	simm.s32 $0xAFA8;
	s0 =	simm.s32 $0x7  }
.LBB2_4:
0x14: {  	s14 =	rddreg [dreg:$0x8]  }
0x15: {  	s5 =	rddreg [dreg:$0x6];
	s14 =	sadd.s32 $0x1, s14  }
0x16: {  	p1 =	sne.s32 s14, s5  }
.Ltmp1:
0x17: {  	_ = 	snop;
	(pc) =	sbr.rel @!p1 .LBB2_5-.Ltmp1, $1  }
0x18: {  	_ =	sdelay $0x3  }
.LBB2_1:
0x19: {  	[dreg:$0x8] =	wrdreg s14  }
0x1a: {  	s18 =	rddreg [dreg:$0x0]  }
0x1b: {  	s5 =	simm.s32 @!p0 $0x1C09;
	s20 =	rddreg [dreg:$0x7]  }
0x1c: {  	s14 =	simm.s32 @!p0 $0x1;
	s15 =	simm.s32 @!p0 $0x8;
	s22 =	simm.s32 @!p0 $0x10  }
0x1d: {  	[spmem:s20@s15], [sflag:s5] =	dma.strided @!p0 [hbm:s18@s22], $0x1F48, s14, $0x8   }
0x1e: {  	s5 =	simm.s32 @!p0 $0x9  }
0x1f: {  	_ =	swait.ge @!p0 [sflag:s5], $0x1F48  }
0x20: {  	s14 =	simm.s32 $0x0;
	[sflag:s5] =	ssyncset.done @!p0 $0x0  }
0x21: {  	s18 =	simm.s32 $0xFA8;
	s15 =	rddreg [dreg:$0x5];
	[sflag:s5] =	ssyncadd.s32 @!p0 $0xFFFFE0B8  }
0x22: {  	[tilespmem:s18], [sflag:$0x9] =	stream.linear.gather [hbm4b:s15+s14], $0x4000, $0x38;
	[tilespmem:$0x14FA8] =	vst v63  }
0x23: {  	_ =	swait.ge [sflag:s16], $0x4000  }
0x24: {  	[sflag:s16] =	ssyncset.done $0x0  }
0x25: {  	[sflag:s16] =	ssyncadd.s32 $0xFFFFC000  }
0x26: {  	s20 =	simm.s32 $0x4FA8;
	[bflag:$0x0] =	sbarrier.arrive $0xFFFF  }
0x27: {  	[tilespmem:s20], [sflag:$0x1] =	stream.indirect.gather [spmem:s2], $0x40, s18, s17, $0xb8;
	[tilespmem:$0x14FA8] =	vst v63  }
0x28: {  	s14 =	simm.s32 $0x1028;
	s15 =	simm.s32 $0x6FA8  }
0x29: {  	[tilespmem:s15], [sflag:$0x2] =	stream.indirect.gather [spmem:s2], $0x40, s14, s17, $0xb8;
	[tilespmem:$0x14FA8] =	vst v63  }
0x2a: {  	s22 =	simm.s32 $0x8FA8;
	s18 =	simm.s32 $0x10A8  }
0x2b: {  	[tilespmem:s22], [sflag:$0x3] =	stream.indirect.gather [spmem:s2], $0x40, s18, s17, $0xb8;
	[tilespmem:$0x14FA8] =	vst v63  }
0x2c: {  	s20 =	simm.s32 $0x1128  }
0x2d: {  	[tilespmem:s24], [sflag:$0x4] =	stream.indirect.gather [spmem:s2], $0x40, s20, s17, $0xb8;
	[tilespmem:$0x14FA8] =	vst v63  }
0x2e: {  	s14 =	simm.s32 $0x11A8  }
0x2f: {  	[tilespmem:s26], [sflag:$0x5] =	stream.indirect.gather [spmem:s2], $0x40, s14, s17, $0xb8;
	[tilespmem:$0x14FA8] =	vst v63  }
0x30: {  	s15 =	simm.s32 $0x1228  }
0x31: {  	[tilespmem:s29], [sflag:$0x6] =	stream.indirect.gather [spmem:s2], $0x40, s15, s17, $0xb8;
	[tilespmem:$0x14FA8] =	vst v63  }
0x32: {  	s18 =	simm.s32 $0x12A8  }
0x33: {  	[tilespmem:s31], [sflag:$0x7] =	stream.indirect.gather [spmem:s2], $0x40, s18, s17, $0xb8;
	[tilespmem:$0x14FA8] =	vst v63  }
0x34: {  	s20 =	simm.s32 $0x1328;
	s14 =	simm.s32 $0x0;
	s15 =	simm.s32 $0x13A8  }
0x35: {  	[tilespmem:s1], [sflag:$0x8] =	stream.indirect.gather [spmem:s2], $0x40, s20, s17, $0xb8;
	[tilespmem:$0x14FA8] =	vst v63  }
.LBB2_2:
0x36: {  	_ =	swait.ge [sflag:s3], $0x2000  }
0x37: {  	[sflag:s3] =	ssyncset.done $0x0  }
0x38: {  	s5 =	sadd.s32 s14, s13;
	s18 =	simm.s32 $0x4FA8;
	[sflag:s3] =	ssyncadd.s32 $0xFFFFE000  }
0x39: {  	[hbm4b:s5+s19] =	stream.strided.scatter [tilespmem:s18], [sflag:$0x9], $0x2000, s17, s19, $0x38;
	[tilespmem:$0x14FA8] =	vst v63  }
0x3a: {  	_ =	swait.ge [sflag:s16], $0x2000  }
0x3b: {  	p1 =	seq.s32 s14, $0x3C000;
	[sflag:s16] =	ssyncset.done $0x0  }
0x3c: {  	s5 =	simm.s32 @!p1 $0x80;
	s18 =	simm.s32 @!p1 $0x4FA8;
	[sflag:s16] =	ssyncadd.s32 $0xFFFFE000  }
0x3d: {  	[tilespmem:s18], [sflag:$0x1] =	stream.indirect.gather @!p1 [spmem:s2], $0x40, s15, s5, $0xb8;
	[tilespmem:$0x14FA8] =	vst v63  }
0x3e: {  	_ =	swait.ge [sflag:s21], $0x2000  }
0x3f: {  	[sflag:s21] =	ssyncset.done $0x0  }
0x40: {  	s20 =	simm.s32 $0x6FA8;
	s18 =	sadd.s32 s14, s12;
	[sflag:s21] =	ssyncadd.s32 $0xFFFFE000  }
0x41: {  	[hbm4b:s18+s19] =	stream.strided.scatter [tilespmem:s20], [sflag:$0x9], $0x2000, s17, s19, $0x38;
	[tilespmem:$0x14FA8] =	vst v63  }
0x42: {  	_ =	swait.ge [sflag:s16], $0x2000  }
0x43: {  	[sflag:s16] =	ssyncset.done $0x0  }
0x44: {  	s18 =	sadd.s32 @!p1 $0x80, s15;
	s20 =	simm.s32 @!p1 $0x6FA8;
	[sflag:s16] =	ssyncadd.s32 $0xFFFFE000  }
0x45: {  	[tilespmem:s20], [sflag:$0x2] =	stream.indirect.gather @!p1 [spmem:s2], $0x40, s18, s5, $0xb8;
	[tilespmem:$0x14FA8] =	vst v63  }
0x46: {  	_ =	swait.ge [sflag:s23], $0x2000  }
0x47: {  	[sflag:s23] =	ssyncset.done $0x0  }
0x48: {  	s20 =	sadd.s32 s14, s11;
	[sflag:s23] =	ssyncadd.s32 $0xFFFFE000  }
0x49: {  	[hbm4b:s20+s19] =	stream.strided.scatter [tilespmem:s22], [sflag:$0x9], $0x2000, s17, s19, $0x38;
	[tilespmem:$0x14FA8] =	vst v63  }
0x4a: {  	_ =	swait.ge [sflag:s16], $0x2000  }
0x4b: {  	[sflag:s16] =	ssyncset.done $0x0  }
0x4c: {  	s18 =	sadd.s32 @!p1 $0x100, s15;
	s20 =	simm.s32 @!p1 $0x8FA8;
	[sflag:s16] =	ssyncadd.s32 $0xFFFFE000  }
0x4d: {  	[tilespmem:s20], [sflag:$0x3] =	stream.indirect.gather @!p1 [spmem:s2], $0x40, s18, s5, $0xb8;
	[tilespmem:$0x14FA8] =	vst v63  }
0x4e: {  	_ =	swait.ge [sflag:s25], $0x2000  }
0x4f: {  	[sflag:s25] =	ssyncset.done $0x0  }
0x50: {  	s20 =	sadd.s32 s14, s10;
	[sflag:s25] =	ssyncadd.s32 $0xFFFFE000  }
0x51: {  	[hbm4b:s20+s19] =	stream.strided.scatter [tilespmem:s24], [sflag:$0x9], $0x2000, s17, s19, $0x38;
	[tilespmem:$0x14FA8] =	vst v63  }
0x52: {  	_ =	swait.ge [sflag:s16], $0x2000  }
0x53: {  	[sflag:s16] =	ssyncset.done $0x0  }
0x54: {  	s18 =	sadd.s32 @!p1 $0x180, s15;
	s20 =	simm.s32 @!p1 $0xAFA8;
	[sflag:s16] =	ssyncadd.s32 $0xFFFFE000  }
0x55: {  	[tilespmem:s20], [sflag:$0x4] =	stream.indirect.gather @!p1 [spmem:s2], $0x40, s18, s5, $0xb8;
	[tilespmem:$0x14FA8] =	vst v63  }
0x56: {  	_ =	swait.ge [sflag:s28], $0x2000  }
0x57: {  	[sflag:s28] =	ssyncset.done $0x0  }
0x58: {  	s20 =	sadd.s32 s14, s9;
	[sflag:s28] =	ssyncadd.s32 $0xFFFFE000  }
0x59: {  	[hbm4b:s20+s19] =	stream.strided.scatter [tilespmem:s26], [sflag:$0x9], $0x2000, s17, s19, $0x38;
	[tilespmem:$0x14FA8] =	vst v63  }
0x5a: {  	_ =	swait.ge [sflag:s16], $0x2000  }
0x5b: {  	[sflag:s16] =	ssyncset.done $0x0  }
0x5c: {  	s18 =	sadd.s32 @!p1 $0x200, s15;
	s20 =	simm.s32 @!p1 $0xCFA8;
	[sflag:s16] =	ssyncadd.s32 $0xFFFFE000  }
0x5d: {  	[tilespmem:s20], [sflag:$0x5] =	stream.indirect.gather @!p1 [spmem:s2], $0x40, s18, s5, $0xb8;
	[tilespmem:$0x14FA8] =	vst v63  }
0x5e: {  	_ =	swait.ge [sflag:s30], $0x2000  }
0x5f: {  	[sflag:s30] =	ssyncset.done $0x0  }
0x60: {  	s20 =	sadd.s32 s14, s8;
	[sflag:s30] =	ssyncadd.s32 $0xFFFFE000  }
0x61: {  	[hbm4b:s20+s19] =	stream.strided.scatter [tilespmem:s29], [sflag:$0x9], $0x2000, s17, s19, $0x38;
	[tilespmem:$0x14FA8] =	vst v63  }
0x62: {  	_ =	swait.ge [sflag:s16], $0x2000  }
0x63: {  	[sflag:s16] =	ssyncset.done $0x0  }
0x64: {  	s18 =	sadd.s32 @!p1 $0x280, s15;
	s20 =	simm.s32 @!p1 $0xEFA8;
	[sflag:s16] =	ssyncadd.s32 $0xFFFFE000  }
0x65: {  	[tilespmem:s20], [sflag:$0x6] =	stream.indirect.gather @!p1 [spmem:s2], $0x40, s18, s5, $0xb8;
	[tilespmem:$0x14FA8] =	vst v63  }
0x66: {  	_ =	swait.ge [sflag:s0], $0x2000  }
0x67: {  	[sflag:s0] =	ssyncset.done $0x0  }
0x68: {  	s20 =	sadd.s32 s14, s7;
	[sflag:s0] =	ssyncadd.s32 $0xFFFFE000  }
0x69: {  	[hbm4b:s20+s19] =	stream.strided.scatter [tilespmem:s31], [sflag:$0x9], $0x2000, s17, s19, $0x38;
	[tilespmem:$0x14FA8] =	vst v63  }
0x6a: {  	_ =	swait.ge [sflag:s16], $0x2000  }
0x6b: {  	[sflag:s16] =	ssyncset.done $0x0  }
0x6c: {  	s18 =	sadd.s32 @!p1 $0x300, s15;
	s20 =	simm.s32 @!p1 $0x10FA8;
	[sflag:s16] =	ssyncadd.s32 $0xFFFFE000  }
0x6d: {  	[tilespmem:s20], [sflag:$0x7] =	stream.indirect.gather @!p1 [spmem:s2], $0x40, s18, s5, $0xb8;
	[tilespmem:$0x14FA8] =	vst v63  }
0x6e: {  	_ =	swait.ge [sflag:s4], $0x2000  }
0x6f: {  	[sflag:s4] =	ssyncset.done $0x0  }
.Ltmp2:
0x70: {  	s20 =	sadd.s32 s14, s6;
	[sflag:s4] =	ssyncadd.s32 $0xFFFFE000;
	(pc) =	sbr.rel @p1 .LBB2_4-.Ltmp2, $4  }
0x71: {  	[hbm4b:s20+s19] =	stream.strided.scatter [tilespmem:s1], [sflag:$0x9], $0x2000, s17, s19, $0x38;
	[tilespmem:$0x14FA8] =	vst v63  }
0x72: {  	_ =	swait.ge [sflag:s16], $0x2000  }
0x73: {  	[sflag:s16] =	ssyncset.done $0x0  }
0x74: {  	[sflag:s16] =	ssyncadd.s32 $0xFFFFE000  }
.Ltmp3:
0x75: {  	(pc) =	sbr.rel .LBB2_2-.Ltmp3, $3  }
0x76: {  	_ =	sdelay $0x1  }
0x77: {  	s5 =	sadd.s32 $0x380, s15;
	s14 =	sadd.s32 $0x4000, s14;
	s15 =	sadd.s32 $0x400, s15  }
0x78: {  	[tilespmem:s1], [sflag:$0x8] =	stream.indirect.gather [spmem:s2], $0x40, s5, s17, $0xb8;
	[tilespmem:$0x14FA8] =	vst v63  }
.LBB2_5:
0x79: {  	_ =	sfence.sel $0x180000  }
0x7a: {  	[bflag:$0x0] =	sbarrier.arrive $0xFFFF  }
0x7b: {  	_ =	strace $0x90000047  }
0x7c: {  	[bflag:$0x2] =	sbarrier.arrive $0xFFFF  }
0x7d: {  	s0 =	rddreg [dreg:$0x4]  }
0x7e: {  	s0 =	sadd.s32 @!p0 $0x100000, s0  }
0x7f: {  	[sflag:s0] =	ssyncadd.tile.s32 @!p0 $0x1;
	_ =	shalt  }
.Lfunc_end2:
_tile_overlayer_lowered:
.L_overlay_start_2:
0x80: {  	(tag) =	ssettag $0x2  }
0x81: {  	s0 =	rddreg [dreg:$0x0];
	s2 =	stileid.u32  }
0x82: {  	s1 =	rddreg [dreg:$0x1];
	p0 =	sne.s32 s2, $0x0  }
0x83: {  	s3 =	rddreg [dreg:$0x2];
	[bflag:$0x3] =	sbarrier.arrive $0xFFFF;
	s2 =	simm.s32 @!p0 $0x1C09  }
0x84: {  	[timem:s3], [sflag:s2] =	dma.local @!p0 [hbm:s0], s1  }
0x85: {  	s0 =	simm.s32 @!p0 $0x9  }
0x86: {  	_ =	swait.ge @!p0 [sflag:s0], s1  }
0x87: {  	s1 =	ssub.s32 @!p0 $0x0, s1;
	[sflag:s0] =	ssyncset.done @!p0 $0x0  }
0x88: {  	[sflag:s0] =	ssyncadd.s32 @!p0 s1  }
0x89: {  	[bflag:$0x3] =	sbarrier.arrive $0xFFFF  }
0x8a: {  	_ =	shalt  }

</sc_bundles>
